<compile_context>
chip_gen: v7x
topology: tpu7x:2x2x1
jax: 0.10.2.dev20260603
libtpu: 0.0.44.dev20260713+nightly
codegen_flags: <defaults>
</compile_context>

<pallas_src>
import functools

import jax
import jax.numpy as jnp
from jax import lax
from jax.experimental import pallas as pl
from jax.experimental.pallas import tpu as pltpu
from jax.experimental.pallas import tpu_sc as plsc

N0 = 10000
N1 = 20000
E = 320000
D = 128
DH = 64

NS = 16
CHUNK = 128
CPS = 160
KCH = 2
SCPS = CPS // KCH
SSTAGE = 8
E_PAD = NS * CHUNK * CPS
ROWS_PER_SUB = 1256
ACC_ROWS = NS * ROWS_PER_SUB
TRASH_ROW = N1 + 1

MM_BLK = 1000
ELU_BLK = 1000


def _xw_body(x_ref, w_ref, o_ref):
    xw = jnp.dot(x_ref[...], w_ref[...], preferred_element_type=jnp.float32)
    xwb = xw.astype(jnp.bfloat16)
    o_ref[0, :, :] = xwb[:, :DH]
    o_ref[1, :, :] = xwb[:, DH:]


def _xw_halves(x_0, w):
    return pl.pallas_call(
        _xw_body,
        grid=(N0 // MM_BLK,),
        in_specs=[
            pl.BlockSpec((MM_BLK, D), lambda i: (i, 0)),
            pl.BlockSpec((D, D), lambda i: (0, 0)),
        ],
        out_specs=pl.BlockSpec((2, MM_BLK, DH), lambda i: (0, i, 0)),
        out_shape=jax.ShapeDtypeStruct((2, N0, DH), jnp.bfloat16),
    )(x_0, w)


def _elu_body(lo_ref, hi_ref, o_ref):
    a = lo_ref[...].astype(jnp.float32)
    b = hi_ref[...].astype(jnp.float32)
    ea = jnp.where(a > 0, a, jnp.exp(a) - 1.0)
    eb = jnp.where(b > 0, b, jnp.exp(b) - 1.0)
    o_ref[...] = jnp.concatenate([ea, eb], axis=1)


def _elu_concat(lo, hi):
    return pl.pallas_call(
        _elu_body,
        grid=(N1 // ELU_BLK,),
        in_specs=[
            pl.BlockSpec((ELU_BLK, DH), lambda i: (i, 0)),
            pl.BlockSpec((ELU_BLK, DH), lambda i: (i, 0)),
        ],
        out_specs=pl.BlockSpec((ELU_BLK, D), lambda i: (i, 0)),
        out_shape=jax.ShapeDtypeStruct((N1, D), jnp.float32),
    )(lo, hi)


def _sc_segment_sum(xw_flat, src_cat, dst_r, zeros):
    mesh = plsc.VectorSubcoreMesh(core_axis_name="c", subcore_axis_name="s")
    out_ty = (
        jax.ShapeDtypeStruct((ACC_ROWS, DH), jnp.bfloat16),
        jax.ShapeDtypeStruct((ACC_ROWS, DH), jnp.bfloat16),
    )

    @functools.partial(
        pl.kernel,
        mesh=mesh,
        out_type=out_ty,
        scratch_types=[
            pltpu.VMEM((2 * SSTAGE, KCH * CHUNK), jnp.int32),
            pltpu.VMEM((2 * SSTAGE, KCH * CHUNK), jnp.int32),
            pltpu.VMEM((KCH * CHUNK, DH), jnp.bfloat16),
            pltpu.VMEM((KCH * CHUNK, DH), jnp.bfloat16),
            pltpu.VMEM((KCH * CHUNK, DH), jnp.bfloat16),
            pltpu.VMEM((KCH * CHUNK, DH), jnp.bfloat16),
            pltpu.VMEM_SHARED((ACC_ROWS, DH), jnp.bfloat16),
            pltpu.SemaphoreType.DMA,
            pltpu.SemaphoreType.DMA,
            [pltpu.SemaphoreType.DMA] * 4,
            [pltpu.SemaphoreType.DMA] * 4,
        ],
        compiler_params=pltpu.CompilerParams(use_tc_tiling_on_sc=False),
    )
    def k(xw_hbm, src_hbm, dst_hbm, z_hbm, lo_hbm, hi_hbm,
          src_all, dst_all, rows0, rows1, rows2, rows3, acc,
          semi, semz, semg, sems):
        c = lax.axis_index("c")
        s = lax.axis_index("s")
        row0 = s * ROWS_PER_SUB

        zcp = pltpu.make_async_copy(z_hbm.at[pl.ds(row0, ROWS_PER_SUB)],
                                    acc.at[pl.ds(row0, ROWS_PER_SUB)], semz)
        zcp.start()

        src_row0 = c * (NS * SCPS) + s * SCPS
        dst_row0 = s * SCPS

        def idx_load(t, base):
            return (
                pltpu.make_async_copy(
                    src_hbm.at[pl.ds(src_row0 + t * SSTAGE, SSTAGE)],
                    src_all.at[pl.ds(base, SSTAGE)], semi),
                pltpu.make_async_copy(
                    dst_hbm.at[pl.ds(dst_row0 + t * SSTAGE, SSTAGE)],
                    dst_all.at[pl.ds(base, SSTAGE)], semi),
            )

        a, b = idx_load(0, 0)
        a.start()
        b.start()
        a.wait()
        b.wait()

        bufs = (rows0, rows1, rows2, rows3)

        def pos(x):
            return lax.rem(x, SSTAGE) + lax.rem(x // SSTAGE, 2) * SSTAGE

        def gather(x, j):
            return pltpu.make_async_copy(
                xw_hbm.at[src_all.at[pos(x)]], bufs[j], semg[j])

        def scatter_desc(x, j):
            return pltpu.make_async_copy(
                bufs[j], acc.at[dst_all.at[pos(x)]], sems[j])

        gather(0, 0).start()
        gather(1, 1).start()
        gather(2, 2).start()
        zcp.wait()
        plsc.subcore_barrier()

        @pl.loop(0, SCPS, step=4)
        def _(i):
            for j in range(4):
                v = i + j
                r = lax.rem(v, SSTAGE)

                @pl.when(jnp.logical_and(r == 1, v - 1 + SSTAGE < SCPS))
                def _():
                    t = v // SSTAGE + 1
                    a, b = idx_load(t, lax.rem(t, 2) * SSTAGE)
                    a.start()
                    b.start()

                @pl.when(jnp.logical_and(r == SSTAGE - 4, v + 4 < SCPS))
                def _():
                    t = v // SSTAGE + 1
                    a, b = idx_load(t, lax.rem(t, 2) * SSTAGE)
                    a.wait()
                    b.wait()

                gather(v, j).wait()
                pltpu.async_copy(bufs[j], acc.at[dst_all.at[pos(v)]],
                                 sems[j], add=True)
                j3 = (j + 3) % 4

                @pl.when(v >= 1)
                def _():
                    scatter_desc(v, j3).wait()

                @pl.when(v + 3 < SCPS)
                def _():
                    gather(v + 3, j3).start()

        scatter_desc(SCPS - 1, (SCPS - 1) % 4).wait()

        plsc.subcore_barrier()

        @pl.when(c == 0)
        def _():
            pltpu.sync_copy(acc.at[pl.ds(row0, ROWS_PER_SUB)],
                            lo_hbm.at[pl.ds(row0, ROWS_PER_SUB)])

        @pl.when(c == 1)
        def _():
            pltpu.sync_copy(acc.at[pl.ds(row0, ROWS_PER_SUB)],
                            hi_hbm.at[pl.ds(row0, ROWS_PER_SUB)])

    return k(xw_flat, src_cat, dst_r, zeros)


def kernel(x_0, x_1, src_idx, dst_idx, W):
    del x_1
    src32 = src_idx.astype(jnp.int32)
    dst32 = dst_idx.astype(jnp.int32)
    pad = E_PAD - E
    src_p = jnp.concatenate([src32, jnp.zeros((pad,), jnp.int32)])
    dst_p = jnp.concatenate([dst32, jnp.full((pad,), TRASH_ROW, jnp.int32)])
    src_cat = jnp.concatenate([src_p, src_p + N0]).reshape(
        2 * NS * SCPS, KCH * CHUNK)
    dst_r = dst_p.reshape(NS * SCPS, KCH * CHUNK)
    zeros = jnp.zeros((ACC_ROWS, DH), jnp.bfloat16)

    xw2 = _xw_halves(x_0, W)
    xw_flat = xw2.reshape(2 * N0, DH)
    lo, hi = _sc_segment_sum(xw_flat, src_cat, dst_r, zeros)
    return _elu_concat(lo, hi)

# --- scband reference (transcript-rebuilt; emitter-appended) ---
"""Pipeline reference for scband-cwndefault-second-conv-66511863546445 (READ-ONLY COPY).

The authoritative reference and input builder live on the scoring server;
editing this copy changes nothing except your own understanding.
"""

import jax, jax.numpy as jnp
import numpy as np

N0 = 10000
N1 = 20000
E = 320000
D_IN = 128
D_OUT = 128


def setup_inputs(seed: int = 0) -> dict:
    key = jax.random.key(seed)
    k1, k2, k3, k4, k5 = jax.random.split(key, 5)
    x_0 = jax.random.normal(k1, (N0, D_IN), dtype=jnp.float32)
    x_1 = jax.random.normal(k2, (N1, D_IN), dtype=jnp.float32)
    src_idx = jax.random.randint(k3, (E,), 0, N0, dtype=jnp.int64)
    dst_idx = jax.random.randint(k4, (E,), 0, N1, dtype=jnp.int64)
    # Conv weight (topomodelx Conv: y = A @ (x @ W)), xavier-ish scale
    W = jax.random.normal(k5, (D_IN, D_OUT), dtype=jnp.float32) * (1.0 / np.sqrt(D_IN))
    return {"x_0": x_0, "x_1": x_1, "src_idx": src_idx, "dst_idx": dst_idx, "W": W}


def reference(x_0, x_1, src_idx, dst_idx, W):
    # Conv(in_channels_0, out_channels, aggr_norm=False, update_func=None):
    #   out = neighborhood_0_to_1 @ (x_0 @ W)
    # neighborhood_0_to_1 is sparse [N1, N0] with nnz at (dst_idx, src_idx), values 1.
    xw = x_0 @ W                                   # [N0, D_OUT]
    msgs = jnp.take(xw, src_idx, axis=0)           # gather, [E, D_OUT]
    agg = jax.ops.segment_sum(msgs, dst_idx, num_segments=N1)  # scatter-add, [N1, D_OUT]
    # _CWNDefaultSecondConv.forward: F.elu(conv_0_to_1(x_0, neighborhood))
    return jax.nn.elu(agg)

if __name__ == "__main__":
    import jax
    _d = setup_inputs()
    print(jax.jit(kernel)(*tuple(_d.values())))

</pallas_src>

<mosaic_0001>
#map = affine_map<(d0, d1) -> (0, 0)>
module attributes {stable_mosaic.version = 14 : i64} {
  func.func @k(%arg0: i32, %arg1: i32, %arg2: memref<20000x64xbf16, #tpu.memory_space<hbm>>, %arg3: memref<2560x256xi32, #tpu.memory_space<hbm>>, %arg4: memref<1280x256xi32, #tpu.memory_space<hbm>>, %arg5: memref<20096x64xbf16, #tpu.memory_space<hbm>>, %arg6: memref<20096x64xbf16, #tpu.memory_space<hbm>>, %arg7: memref<20096x64xbf16, #tpu.memory_space<hbm>>, %arg8: memref<16x256xi32, #tpu.memory_space<vmem>>, %arg9: memref<16x256xi32, #tpu.memory_space<vmem>>, %arg10: memref<256x64xbf16, #tpu.memory_space<vmem>>, %arg11: memref<256x64xbf16, #tpu.memory_space<vmem>>, %arg12: memref<256x64xbf16, #tpu.memory_space<vmem>>, %arg13: memref<256x64xbf16, #tpu.memory_space<vmem>>, %arg14: memref<20096x64xbf16, #tpu.memory_space<vmem_shared>>, %arg15: memref<!tpu.dma_semaphore, #tpu.memory_space<semaphore_mem>>, %arg16: memref<!tpu.dma_semaphore, #tpu.memory_space<semaphore_mem>>, %arg17: memref<!tpu.dma_semaphore, #tpu.memory_space<semaphore_mem>>, %arg18: memref<!tpu.dma_semaphore, #tpu.memory_space<semaphore_mem>>, %arg19: memref<!tpu.dma_semaphore, #tpu.memory_space<semaphore_mem>>, %arg20: memref<!tpu.dma_semaphore, #tpu.memory_space<semaphore_mem>>, %arg21: memref<!tpu.dma_semaphore, #tpu.memory_space<semaphore_mem>>, %arg22: memref<!tpu.dma_semaphore, #tpu.memory_space<semaphore_mem>>, %arg23: memref<!tpu.dma_semaphore, #tpu.memory_space<semaphore_mem>>, %arg24: memref<!tpu.dma_semaphore, #tpu.memory_space<semaphore_mem>>) attributes {dimension_semantics = [#tpu.dimension_semantics<core_parallel>, #tpu.dimension_semantics<subcore_parallel>], iteration_bounds = array<i64: 2, 16>, scalar_prefetch = 0 : i64, scratch_operands = 17 : i64, tpu.core_type = #tpu.core_type<sc_vector_subcore>, window_params = [{transform_indices = #map}, {transform_indices = #map}, {transform_indices = #map}, {transform_indices = #map}, {transform_indices = #map}, {transform_indices = #map}]} {
    %mul3A = arith.constant 1256 : i32
    %mul3A_0 = arith.muli %arg1, %mul3A : i32
    %dma_start3A = arith.constant 0 : i32
    %dma_start3A_1 = tpu.memref_slice %arg14[%mul3A_0, %dma_start3A] : memref<20096x64xbf16, #tpu.memory_space<vmem_shared>> -> memref<1256x64xbf16, #tpu.memory_space<vmem_shared>>
    %dma_start3A_2 = arith.constant 0 : i32
    %dma_start3A_3 = tpu.memref_slice %arg5[%mul3A_0, %dma_start3A_2] : memref<20096x64xbf16, #tpu.memory_space<hbm>> -> memref<1256x64xbf16, #tpu.memory_space<hbm>>
    tpu.enqueue_dma source(%dma_start3A_3 : memref<1256x64xbf16, #tpu.memory_space<hbm>>) target(%dma_start3A_1 : memref<1256x64xbf16, #tpu.memory_space<vmem_shared>>) target_semaphore(%arg16 : memref<!tpu.dma_semaphore, #tpu.memory_space<semaphore_mem>>)
    %mul3A_4 = arith.constant 1280 : i32
    %mul3A_5 = arith.muli %arg0, %mul3A_4 : i32
    %mul3A_6 = arith.constant 80 : i32
    %mul3A_7 = arith.muli %arg1, %mul3A_6 : i32
    %add3A = arith.addi %mul3A_5, %mul3A_7 : i32
    %mul3A_8 = arith.constant 80 : i32
    %mul3A_9 = arith.muli %arg1, %mul3A_8 : i32
    %add3A_10 = arith.constant 0 : i32
    %add3A_11 = arith.addi %add3A, %add3A_10 : i32
    %add3A_12 = arith.constant 0 : i32
    %add3A_13 = arith.addi %mul3A_9, %add3A_12 : i32
    %dma_start3A_14 = arith.constant 0 : i32
    %dma_start3A_15 = arith.constant 0 : i32
    %dma_start3A_16 = tpu.memref_slice %arg8[%dma_start3A_14, %dma_start3A_15] : memref<16x256xi32, #tpu.memory_space<vmem>> -> memref<8x256xi32, #tpu.memory_space<vmem>>
    %dma_start3A_17 = arith.constant 0 : i32
    %dma_start3A_18 = tpu.memref_slice %arg3[%add3A_11, %dma_start3A_17] : memref<2560x256xi32, #tpu.memory_space<hbm>> -> memref<8x256xi32, #tpu.memory_space<hbm>>
    %dma_start3A_19 = arith.constant 0 : i32
    %dma_start3A_20 = arith.constant 0 : i32
    %dma_start3A_21 = tpu.memref_slice %arg8[%dma_start3A_19, %dma_start3A_20] : memref<16x256xi32, #tpu.memory_space<vmem>> -> memref<8x256xi32, #tpu.memory_space<vmem>>
    %dma_start3A_22 = arith.constant 0 : i32
    %dma_start3A_23 = tpu.memref_slice %arg3[%add3A_11, %dma_start3A_22] : memref<2560x256xi32, #tpu.memory_space<hbm>> -> memref<8x256xi32, #tpu.memory_space<hbm>>
    tpu.enqueue_dma source(%dma_start3A_23 : memref<8x256xi32, #tpu.memory_space<hbm>>) target(%dma_start3A_21 : memref<8x256xi32, #tpu.memory_space<vmem>>) target_semaphore(%arg15 : memref<!tpu.dma_semaphore, #tpu.memory_space<semaphore_mem>>)
    %dma_start3A_24 = arith.constant 0 : i32
    %dma_start3A_25 = arith.constant 0 : i32
    %dma_start3A_26 = tpu.memref_slice %arg9[%dma_start3A_24, %dma_start3A_25] : memref<16x256xi32, #tpu.memory_space<vmem>> -> memref<8x256xi32, #tpu.memory_space<vmem>>
    %dma_start3A_27 = arith.constant 0 : i32
    %dma_start3A_28 = tpu.memref_slice %arg4[%add3A_13, %dma_start3A_27] : memref<1280x256xi32, #tpu.memory_space<hbm>> -> memref<8x256xi32, #tpu.memory_space<hbm>>
    %dma_start3A_29 = arith.constant 0 : i32
    %dma_start3A_30 = arith.constant 0 : i32
    %dma_start3A_31 = tpu.memref_slice %arg9[%dma_start3A_29, %dma_start3A_30] : memref<16x256xi32, #tpu.memory_space<vmem>> -> memref<8x256xi32, #tpu.memory_space<vmem>>
    %dma_start3A_32 = arith.constant 0 : i32
    %dma_start3A_33 = tpu.memref_slice %arg4[%add3A_13, %dma_start3A_32] : memref<1280x256xi32, #tpu.memory_space<hbm>> -> memref<8x256xi32, #tpu.memory_space<hbm>>
    tpu.enqueue_dma source(%dma_start3A_33 : memref<8x256xi32, #tpu.memory_space<hbm>>) target(%dma_start3A_31 : memref<8x256xi32, #tpu.memory_space<vmem>>) target_semaphore(%arg15 : memref<!tpu.dma_semaphore, #tpu.memory_space<semaphore_mem>>)
    %dma_wait3A = arith.constant 0 : i32
    %dma_wait3A_34 = arith.constant 0 : i32
    %dma_wait3A_35 = tpu.memref_slice %arg8[%dma_wait3A, %dma_wait3A_34] : memref<16x256xi32, #tpu.memory_space<vmem>> -> memref<8x256xi32, #tpu.memory_space<vmem>>
    %dma_wait3A_36 = arith.constant 0 : i32
    %dma_wait3A_37 = tpu.memref_slice %arg3[%add3A_11, %dma_wait3A_36] : memref<2560x256xi32, #tpu.memory_space<hbm>> -> memref<8x256xi32, #tpu.memory_space<hbm>>
    %dma_wait3A_38 = arith.constant 0 : i32
    %dma_wait3A_39 = arith.constant 0 : i32
    %dma_wait3A_40 = tpu.memref_slice %arg8[%dma_wait3A_38, %dma_wait3A_39] : memref<16x256xi32, #tpu.memory_space<vmem>> -> memref<8x256xi32, #tpu.memory_space<vmem>>
    %dma_wait3A_41 = arith.constant 0 : i32
    %dma_wait3A_42 = tpu.memref_slice %arg3[%add3A_11, %dma_wait3A_41] : memref<2560x256xi32, #tpu.memory_space<hbm>> -> memref<8x256xi32, #tpu.memory_space<hbm>>
    tpu.wait_dma2 semaphore(%arg15 : memref<!tpu.dma_semaphore, #tpu.memory_space<semaphore_mem>>) src(%dma_wait3A_42 : memref<8x256xi32, #tpu.memory_space<hbm>>) dst(%dma_wait3A_40 : memref<8x256xi32, #tpu.memory_space<vmem>>)
    %dma_wait3A_43 = arith.constant 0 : i32
    %dma_wait3A_44 = arith.constant 0 : i32
    %dma_wait3A_45 = tpu.memref_slice %arg9[%dma_wait3A_43, %dma_wait3A_44] : memref<16x256xi32, #tpu.memory_space<vmem>> -> memref<8x256xi32, #tpu.memory_space<vmem>>
    %dma_wait3A_46 = arith.constant 0 : i32
    %dma_wait3A_47 = tpu.memref_slice %arg4[%add3A_13, %dma_wait3A_46] : memref<1280x256xi32, #tpu.memory_space<hbm>> -> memref<8x256xi32, #tpu.memory_space<hbm>>
    %dma_wait3A_48 = arith.constant 0 : i32
    %dma_wait3A_49 = arith.constant 0 : i32
    %dma_wait3A_50 = tpu.memref_slice %arg9[%dma_wait3A_48, %dma_wait3A_49] : memref<16x256xi32, #tpu.memory_space<vmem>> -> memref<8x256xi32, #tpu.memory_space<vmem>>
    %dma_wait3A_51 = arith.constant 0 : i32
    %dma_wait3A_52 = tpu.memref_slice %arg4[%add3A_13, %dma_wait3A_51] : memref<1280x256xi32, #tpu.memory_space<hbm>> -> memref<8x256xi32, #tpu.memory_space<hbm>>
    tpu.wait_dma2 semaphore(%arg15 : memref<!tpu.dma_semaphore, #tpu.memory_space<semaphore_mem>>) src(%dma_wait3A_52 : memref<8x256xi32, #tpu.memory_space<hbm>>) dst(%dma_wait3A_50 : memref<8x256xi32, #tpu.memory_space<vmem>>)
    %rem3A = arith.constant 0 : i32
    %rem3A_53 = arith.constant 8 : i32
    %rem3A_54 = arith.remsi %rem3A, %rem3A_53 : i32
    %rem3A_55 = arith.constant 0 : i32
    %rem3A_56 = arith.constant 2 : i32
    %rem3A_57 = arith.remsi %rem3A_55, %rem3A_56 : i32
    %mul3A_58 = arith.constant 8 : i32
    %mul3A_59 = arith.muli %rem3A_57, %mul3A_58 : i32
    %add3A_60 = arith.addi %rem3A_54, %mul3A_59 : i32
    %dma_start3A_61 = arith.constant 0 : i32
    %dma_start3A_62 = tpu.memref_slice %arg8[%add3A_60, %dma_start3A_61] : memref<16x256xi32, #tpu.memory_space<vmem>> -> memref<1x256xi32, #tpu.memory_space<vmem>>
    %dma_start3A_63 = tpu.memref_squeeze %dma_start3A_62 : memref<1x256xi32, #tpu.memory_space<vmem>> -> memref<256xi32, #tpu.memory_space<vmem>>
    %dma_start3A_64 = arith.constant 0 : i32
    %dma_start3A_65 = arith.constant 0 : i32
    %dma_start3A_66 = tpu.memref_slice %arg2[%dma_start3A_64, %dma_start3A_65] : memref<20000x64xbf16, #tpu.memory_space<hbm>> -> memref<20000x64xbf16, #tpu.memory_space<hbm>>
    tpu.enqueue_indirect_dma source(%dma_start3A_66 : memref<20000x64xbf16, #tpu.memory_space<hbm>>) target(%arg10 : memref<256x64xbf16, #tpu.memory_space<vmem>>) offsets(%dma_start3A_63 : memref<256xi32, #tpu.memory_space<vmem>>) semaphore(%arg17 : memref<!tpu.dma_semaphore, #tpu.memory_space<semaphore_mem>>)
    %rem3A_67 = arith.constant 1 : i32
    %rem3A_68 = arith.constant 8 : i32
    %rem3A_69 = arith.remsi %rem3A_67, %rem3A_68 : i32
    %rem3A_70 = arith.constant 0 : i32
    %rem3A_71 = arith.constant 2 : i32
    %rem3A_72 = arith.remsi %rem3A_70, %rem3A_71 : i32
    %mul3A_73 = arith.constant 8 : i32
    %mul3A_74 = arith.muli %rem3A_72, %mul3A_73 : i32
    %add3A_75 = arith.addi %rem3A_69, %mul3A_74 : i32
    %dma_start3A_76 = arith.constant 0 : i32
    %dma_start3A_77 = tpu.memref_slice %arg8[%add3A_75, %dma_start3A_76] : memref<16x256xi32, #tpu.memory_space<vmem>> -> memref<1x256xi32, #tpu.memory_space<vmem>>
    %dma_start3A_78 = tpu.memref_squeeze %dma_start3A_77 : memref<1x256xi32, #tpu.memory_space<vmem>> -> memref<256xi32, #tpu.memory_space<vmem>>
    %dma_start3A_79 = arith.constant 0 : i32
    %dma_start3A_80 = arith.constant 0 : i32
    %dma_start3A_81 = tpu.memref_slice %arg2[%dma_start3A_79, %dma_start3A_80] : memref<20000x64xbf16, #tpu.memory_space<hbm>> -> memref<20000x64xbf16, #tpu.memory_space<hbm>>
    tpu.enqueue_indirect_dma source(%dma_start3A_81 : memref<20000x64xbf16, #tpu.memory_space<hbm>>) target(%arg11 : memref<256x64xbf16, #tpu.memory_space<vmem>>) offsets(%dma_start3A_78 : memref<256xi32, #tpu.memory_space<vmem>>) semaphore(%arg18 : memref<!tpu.dma_semaphore, #tpu.memory_space<semaphore_mem>>)
    %rem3A_82 = arith.constant 2 : i32
    %rem3A_83 = arith.constant 8 : i32
    %rem3A_84 = arith.remsi %rem3A_82, %rem3A_83 : i32
    %rem3A_85 = arith.constant 0 : i32
    %rem3A_86 = arith.constant 2 : i32
    %rem3A_87 = arith.remsi %rem3A_85, %rem3A_86 : i32
    %mul3A_88 = arith.constant 8 : i32
    %mul3A_89 = arith.muli %rem3A_87, %mul3A_88 : i32
    %add3A_90 = arith.addi %rem3A_84, %mul3A_89 : i32
    %dma_start3A_91 = arith.constant 0 : i32
    %dma_start3A_92 = tpu.memref_slice %arg8[%add3A_90, %dma_start3A_91] : memref<16x256xi32, #tpu.memory_space<vmem>> -> memref<1x256xi32, #tpu.memory_space<vmem>>
    %dma_start3A_93 = tpu.memref_squeeze %dma_start3A_92 : memref<1x256xi32, #tpu.memory_space<vmem>> -> memref<256xi32, #tpu.memory_space<vmem>>
    %dma_start3A_94 = arith.constant 0 : i32
    %dma_start3A_95 = arith.constant 0 : i32
    %dma_start3A_96 = tpu.memref_slice %arg2[%dma_start3A_94, %dma_start3A_95] : memref<20000x64xbf16, #tpu.memory_space<hbm>> -> memref<20000x64xbf16, #tpu.memory_space<hbm>>
    tpu.enqueue_indirect_dma source(%dma_start3A_96 : memref<20000x64xbf16, #tpu.memory_space<hbm>>) target(%arg12 : memref<256x64xbf16, #tpu.memory_space<vmem>>) offsets(%dma_start3A_93 : memref<256xi32, #tpu.memory_space<vmem>>) semaphore(%arg19 : memref<!tpu.dma_semaphore, #tpu.memory_space<semaphore_mem>>)
    %dma_wait3A_97 = arith.constant 0 : i32
    %dma_wait3A_98 = tpu.memref_slice %arg14[%mul3A_0, %dma_wait3A_97] : memref<20096x64xbf16, #tpu.memory_space<vmem_shared>> -> memref<1256x64xbf16, #tpu.memory_space<vmem_shared>>
    %dma_wait3A_99 = arith.constant 0 : i32
    %dma_wait3A_100 = tpu.memref_slice %arg5[%mul3A_0, %dma_wait3A_99] : memref<20096x64xbf16, #tpu.memory_space<hbm>> -> memref<1256x64xbf16, #tpu.memory_space<hbm>>
    tpu.wait_dma2 semaphore(%arg16 : memref<!tpu.dma_semaphore, #tpu.memory_space<semaphore_mem>>) src(%dma_wait3A_100 : memref<1256x64xbf16, #tpu.memory_space<hbm>>) dst(%dma_wait3A_98 : memref<1256x64xbf16, #tpu.memory_space<vmem_shared>>)
    %barrier3A = arith.constant 0 : index
    tpu.barrier barrier_id(%barrier3A)
    %scan3A = arith.constant 0 : i32
    %scan3A_101 = arith.constant 20 : i32
    %scan3A_102 = arith.addi %scan3A, %scan3A_101 : i32
    %scan3A_103 = arith.constant 1 : i32
    scf.for %scan3A_128 = %scan3A to %scan3A_102 step %scan3A_103  : i32 {
      %mul3A_129 = arith.constant 4 : i32
      %mul3A_130 = arith.muli %scan3A_128, %mul3A_129 : i32
      %add3A_131 = arith.constant 0 : i32
      %add3A_132 = arith.addi %add3A_131, %mul3A_130 : i32
      %add3A_133 = arith.constant 0 : i32
      %add3A_134 = arith.addi %add3A_132, %add3A_133 : i32
      %rem3A_135 = arith.constant 8 : i32
      %rem3A_136 = arith.remsi %add3A_134, %rem3A_135 : i32
      %eq3A_137 = arith.constant 1 : i32
      %eq3A_138 = arith.cmpi eq, %rem3A_136, %eq3A_137 : i32
      %sub3A = arith.constant 1 : i32
      %sub3A_139 = arith.subi %add3A_134, %sub3A : i32
      %add3A_140 = arith.constant 8 : i32
      %add3A_141 = arith.addi %sub3A_139, %add3A_140 : i32
      %lt3A = arith.constant 80 : i32
      %lt3A_142 = arith.cmpi slt, %add3A_141, %lt3A : i32
      %and3A = arith.andi %eq3A_138, %lt3A_142 : i1
      %convert_element_type3A_143 = arith.extui %and3A : i1 to i32
      %cond3A_144 = arith.constant 0 : i32
      %cond3A_145 = arith.cmpi ne, %convert_element_type3A_143, %cond3A_144 : i32
      scf.if %cond3A_145 {
        %jit3A_572 = arith.constant 8 : i32
        %div3A_573 = arith.divsi %add3A_134, %jit3A_572 : i32
        %sign3A_574 = arith.constant 0 : i32
        %sign3A_575 = arith.cmpi sgt, %add3A_134, %sign3A_574 : i32
        %sign3A_576 = arith.extui %sign3A_575 : i1 to i32
        %sign3A_577 = arith.constant 0 : i32
        %sign3A_578 = arith.cmpi slt, %add3A_134, %sign3A_577 : i32
        %sign3A_579 = arith.extui %sign3A_578 : i1 to i32
        %sign3A_580 = arith.subi %sign3A_576, %sign3A_579 : i32
        %sign3A_581 = arith.constant 0 : i32
        %sign3A_582 = arith.cmpi sgt, %jit3A_572, %sign3A_581 : i32
        %sign3A_583 = arith.extui %sign3A_582 : i1 to i32
        %sign3A_584 = arith.constant 0 : i32
        %sign3A_585 = arith.cmpi slt, %jit3A_572, %sign3A_584 : i32
        %sign3A_586 = arith.extui %sign3A_585 : i1 to i32
        %sign3A_587 = arith.subi %sign3A_583, %sign3A_586 : i32
        %ne3A_588 = arith.cmpi ne, %sign3A_580, %sign3A_587 : i32
        %rem3A_589 = arith.remsi %add3A_134, %jit3A_572 : i32
        %ne3A_590 = arith.constant 0 : i32
        %ne3A_591 = arith.cmpi ne, %rem3A_589, %ne3A_590 : i32
        %and3A_592 = arith.andi %ne3A_588, %ne3A_591 : i1
        %sub3A_593 = arith.constant 1 : i32
        %sub3A_594 = arith.subi %div3A_573, %sub3A_593 : i32
        %select_n3A_595 = arith.select %and3A_592, %sub3A_594, %div3A_573 : i32
        %add3A_596 = arith.constant 1 : i32
        %add3A_597 = arith.addi %select_n3A_595, %add3A_596 : i32
        %rem3A_598 = arith.constant 2 : i32
        %rem3A_599 = arith.remsi %add3A_597, %rem3A_598 : i32
        %mul3A_600 = arith.constant 8 : i32
        %mul3A_601 = arith.muli %rem3A_599, %mul3A_600 : i32
        %mul3A_602 = arith.constant 8 : i32
        %mul3A_603 = arith.muli %add3A_597, %mul3A_602 : i32
        %add3A_604 = arith.addi %add3A, %mul3A_603 : i32
        %mul3A_605 = arith.constant 8 : i32
        %mul3A_606 = arith.muli %add3A_597, %mul3A_605 : i32
        %add3A_607 = arith.addi %mul3A_9, %mul3A_606 : i32
        %dma_start3A_608 = arith.constant 0 : i32
        %dma_start3A_609 = tpu.memref_slice %arg8[%mul3A_601, %dma_start3A_608] : memref<16x256xi32, #tpu.memory_space<vmem>> -> memref<8x256xi32, #tpu.memory_space<vmem>>
        %dma_start3A_610 = arith.constant 0 : i32
        %dma_start3A_611 = tpu.memref_slice %arg3[%add3A_604, %dma_start3A_610] : memref<2560x256xi32, #tpu.memory_space<hbm>> -> memref<8x256xi32, #tpu.memory_space<hbm>>
        %dma_start3A_612 = arith.constant 0 : i32
        %dma_start3A_613 = tpu.memref_slice %arg8[%mul3A_601, %dma_start3A_612] : memref<16x256xi32, #tpu.memory_space<vmem>> -> memref<8x256xi32, #tpu.memory_space<vmem>>
        %dma_start3A_614 = arith.constant 0 : i32
        %dma_start3A_615 = tpu.memref_slice %arg3[%add3A_604, %dma_start3A_614] : memref<2560x256xi32, #tpu.memory_space<hbm>> -> memref<8x256xi32, #tpu.memory_space<hbm>>
        tpu.enqueue_dma source(%dma_start3A_615 : memref<8x256xi32, #tpu.memory_space<hbm>>) target(%dma_start3A_613 : memref<8x256xi32, #tpu.memory_space<vmem>>) target_semaphore(%arg15 : memref<!tpu.dma_semaphore, #tpu.memory_space<semaphore_mem>>)
        %dma_start3A_616 = arith.constant 0 : i32
        %dma_start3A_617 = tpu.memref_slice %arg9[%mul3A_601, %dma_start3A_616] : memref<16x256xi32, #tpu.memory_space<vmem>> -> memref<8x256xi32, #tpu.memory_space<vmem>>
        %dma_start3A_618 = arith.constant 0 : i32
        %dma_start3A_619 = tpu.memref_slice %arg4[%add3A_607, %dma_start3A_618] : memref<1280x256xi32, #tpu.memory_space<hbm>> -> memref<8x256xi32, #tpu.memory_space<hbm>>
        %dma_start3A_620 = arith.constant 0 : i32
        %dma_start3A_621 = tpu.memref_slice %arg9[%mul3A_601, %dma_start3A_620] : memref<16x256xi32, #tpu.memory_space<vmem>> -> memref<8x256xi32, #tpu.memory_space<vmem>>
        %dma_start3A_622 = arith.constant 0 : i32
        %dma_start3A_623 = tpu.memref_slice %arg4[%add3A_607, %dma_start3A_622] : memref<1280x256xi32, #tpu.memory_space<hbm>> -> memref<8x256xi32, #tpu.memory_space<hbm>>
        tpu.enqueue_dma source(%dma_start3A_623 : memref<8x256xi32, #tpu.memory_space<hbm>>) target(%dma_start3A_621 : memref<8x256xi32, #tpu.memory_space<vmem>>) target_semaphore(%arg15 : memref<!tpu.dma_semaphore, #tpu.memory_space<semaphore_mem>>)
      } else {
      }
      %eq3A_146 = arith.constant 4 : i32
      %eq3A_147 = arith.cmpi eq, %rem3A_136, %eq3A_146 : i32
      %add3A_148 = arith.constant 4 : i32
      %add3A_149 = arith.addi %add3A_134, %add3A_148 : i32
      %lt3A_150 = arith.constant 80 : i32
      %lt3A_151 = arith.cmpi slt, %add3A_149, %lt3A_150 : i32
      %and3A_152 = arith.andi %eq3A_147, %lt3A_151 : i1
      %convert_element_type3A_153 = arith.extui %and3A_152 : i1 to i32
      %cond3A_154 = arith.constant 0 : i32
      %cond3A_155 = arith.cmpi ne, %convert_element_type3A_153, %cond3A_154 : i32
      scf.if %cond3A_155 {
        %jit3A_572 = arith.constant 8 : i32
        %div3A_573 = arith.divsi %add3A_134, %jit3A_572 : i32
        %sign3A_574 = arith.constant 0 : i32
        %sign3A_575 = arith.cmpi sgt, %add3A_134, %sign3A_574 : i32
        %sign3A_576 = arith.extui %sign3A_575 : i1 to i32
        %sign3A_577 = arith.constant 0 : i32
        %sign3A_578 = arith.cmpi slt, %add3A_134, %sign3A_577 : i32
        %sign3A_579 = arith.extui %sign3A_578 : i1 to i32
        %sign3A_580 = arith.subi %sign3A_576, %sign3A_579 : i32
        %sign3A_581 = arith.constant 0 : i32
        %sign3A_582 = arith.cmpi sgt, %jit3A_572, %sign3A_581 : i32
        %sign3A_583 = arith.extui %sign3A_582 : i1 to i32
        %sign3A_584 = arith.constant 0 : i32
        %sign3A_585 = arith.cmpi slt, %jit3A_572, %sign3A_584 : i32
        %sign3A_586 = arith.extui %sign3A_585 : i1 to i32
        %sign3A_587 = arith.subi %sign3A_583, %sign3A_586 : i32
        %ne3A_588 = arith.cmpi ne, %sign3A_580, %sign3A_587 : i32
        %rem3A_589 = arith.remsi %add3A_134, %jit3A_572 : i32
        %ne3A_590 = arith.constant 0 : i32
        %ne3A_591 = arith.cmpi ne, %rem3A_589, %ne3A_590 : i32
        %and3A_592 = arith.andi %ne3A_588, %ne3A_591 : i1
        %sub3A_593 = arith.constant 1 : i32
        %sub3A_594 = arith.subi %div3A_573, %sub3A_593 : i32
        %select_n3A_595 = arith.select %and3A_592, %sub3A_594, %div3A_573 : i32
        %add3A_596 = arith.constant 1 : i32
        %add3A_597 = arith.addi %select_n3A_595, %add3A_596 : i32
        %rem3A_598 = arith.constant 2 : i32
        %rem3A_599 = arith.remsi %add3A_597, %rem3A_598 : i32
        %mul3A_600 = arith.constant 8 : i32
        %mul3A_601 = arith.muli %rem3A_599, %mul3A_600 : i32
        %mul3A_602 = arith.constant 8 : i32
        %mul3A_603 = arith.muli %add3A_597, %mul3A_602 : i32
        %add3A_604 = arith.addi %add3A, %mul3A_603 : i32
        %mul3A_605 = arith.constant 8 : i32
        %mul3A_606 = arith.muli %add3A_597, %mul3A_605 : i32
        %add3A_607 = arith.addi %mul3A_9, %mul3A_606 : i32
        %dma_wait3A_608 = arith.constant 0 : i32
        %dma_wait3A_609 = tpu.memref_slice %arg8[%mul3A_601, %dma_wait3A_608] : memref<16x256xi32, #tpu.memory_space<vmem>> -> memref<8x256xi32, #tpu.memory_space<vmem>>
        %dma_wait3A_610 = arith.constant 0 : i32
        %dma_wait3A_611 = tpu.memref_slice %arg3[%add3A_604, %dma_wait3A_610] : memref<2560x256xi32, #tpu.memory_space<hbm>> -> memref<8x256xi32, #tpu.memory_space<hbm>>
        %dma_wait3A_612 = arith.constant 0 : i32
        %dma_wait3A_613 = tpu.memref_slice %arg8[%mul3A_601, %dma_wait3A_612] : memref<16x256xi32, #tpu.memory_space<vmem>> -> memref<8x256xi32, #tpu.memory_space<vmem>>
        %dma_wait3A_614 = arith.constant 0 : i32
        %dma_wait3A_615 = tpu.memref_slice %arg3[%add3A_604, %dma_wait3A_614] : memref<2560x256xi32, #tpu.memory_space<hbm>> -> memref<8x256xi32, #tpu.memory_space<hbm>>
        tpu.wait_dma2 semaphore(%arg15 : memref<!tpu.dma_semaphore, #tpu.memory_space<semaphore_mem>>) src(%dma_wait3A_615 : memref<8x256xi32, #tpu.memory_space<hbm>>) dst(%dma_wait3A_613 : memref<8x256xi32, #tpu.memory_space<vmem>>)
        %dma_wait3A_616 = arith.constant 0 : i32
        %dma_wait3A_617 = tpu.memref_slice %arg9[%mul3A_601, %dma_wait3A_616] : memref<16x256xi32, #tpu.memory_space<vmem>> -> memref<8x256xi32, #tpu.memory_space<vmem>>
        %dma_wait3A_618 = arith.constant 0 : i32
        %dma_wait3A_619 = tpu.memref_slice %arg4[%add3A_607, %dma_wait3A_618] : memref<1280x256xi32, #tpu.memory_space<hbm>> -> memref<8x256xi32, #tpu.memory_space<hbm>>
        %dma_wait3A_620 = arith.constant 0 : i32
        %dma_wait3A_621 = tpu.memref_slice %arg9[%mul3A_601, %dma_wait3A_620] : memref<16x256xi32, #tpu.memory_space<vmem>> -> memref<8x256xi32, #tpu.memory_space<vmem>>
        %dma_wait3A_622 = arith.constant 0 : i32
        %dma_wait3A_623 = tpu.memref_slice %arg4[%add3A_607, %dma_wait3A_622] : memref<1280x256xi32, #tpu.memory_space<hbm>> -> memref<8x256xi32, #tpu.memory_space<hbm>>
        tpu.wait_dma2 semaphore(%arg15 : memref<!tpu.dma_semaphore, #tpu.memory_space<semaphore_mem>>) src(%dma_wait3A_623 : memref<8x256xi32, #tpu.memory_space<hbm>>) dst(%dma_wait3A_621 : memref<8x256xi32, #tpu.memory_space<vmem>>)
      } else {
      }
      %rem3A_156 = arith.constant 8 : i32
      %rem3A_157 = arith.remsi %add3A_134, %rem3A_156 : i32
      %jit3A = arith.constant 8 : i32
      %div3A = arith.divsi %add3A_134, %jit3A : i32
      %sign3A = arith.constant 0 : i32
      %sign3A_158 = arith.cmpi sgt, %add3A_134, %sign3A : i32
      %sign3A_159 = arith.extui %sign3A_158 : i1 to i32
      %sign3A_160 = arith.constant 0 : i32
      %sign3A_161 = arith.cmpi slt, %add3A_134, %sign3A_160 : i32
      %sign3A_162 = arith.extui %sign3A_161 : i1 to i32
      %sign3A_163 = arith.subi %sign3A_159, %sign3A_162 : i32
      %sign3A_164 = arith.constant 0 : i32
      %sign3A_165 = arith.cmpi sgt, %jit3A, %sign3A_164 : i32
      %sign3A_166 = arith.extui %sign3A_165 : i1 to i32
      %sign3A_167 = arith.constant 0 : i32
      %sign3A_168 = arith.cmpi slt, %jit3A, %sign3A_167 : i32
      %sign3A_169 = arith.extui %sign3A_168 : i1 to i32
      %sign3A_170 = arith.subi %sign3A_166, %sign3A_169 : i32
      %ne3A = arith.cmpi ne, %sign3A_163, %sign3A_170 : i32
      %rem3A_171 = arith.remsi %add3A_134, %jit3A : i32
      %ne3A_172 = arith.constant 0 : i32
      %ne3A_173 = arith.cmpi ne, %rem3A_171, %ne3A_172 : i32
      %and3A_174 = arith.andi %ne3A, %ne3A_173 : i1
      %sub3A_175 = arith.constant 1 : i32
      %sub3A_176 = arith.subi %div3A, %sub3A_175 : i32
      %select_n3A = arith.select %and3A_174, %sub3A_176, %div3A : i32
      %rem3A_177 = arith.constant 2 : i32
      %rem3A_178 = arith.remsi %select_n3A, %rem3A_177 : i32
      %mul3A_179 = arith.constant 8 : i32
      %mul3A_180 = arith.muli %rem3A_178, %mul3A_179 : i32
      %add3A_181 = arith.addi %rem3A_157, %mul3A_180 : i32
      %dma_wait3A_182 = arith.constant 0 : i32
      %dma_wait3A_183 = tpu.memref_slice %arg8[%add3A_181, %dma_wait3A_182] : memref<16x256xi32, #tpu.memory_space<vmem>> -> memref<1x256xi32, #tpu.memory_space<vmem>>
      %dma_wait3A_184 = tpu.memref_squeeze %dma_wait3A_183 : memref<1x256xi32, #tpu.memory_space<vmem>> -> memref<256xi32, #tpu.memory_space<vmem>>
      %dma_wait3A_185 = arith.constant 0 : i32
      %dma_wait3A_186 = arith.constant 0 : i32
      %dma_wait3A_187 = tpu.memref_slice %arg2[%dma_wait3A_185, %dma_wait3A_186] : memref<20000x64xbf16, #tpu.memory_space<hbm>> -> memref<20000x64xbf16, #tpu.memory_space<hbm>>
      tpu.wait_indirect_dma semaphore(%arg17 : memref<!tpu.dma_semaphore, #tpu.memory_space<semaphore_mem>>) src(%dma_wait3A_187 : memref<20000x64xbf16, #tpu.memory_space<hbm>>) dst(%arg10 : memref<256x64xbf16, #tpu.memory_space<vmem>>)
      %rem3A_188 = arith.constant 8 : i32
      %rem3A_189 = arith.remsi %add3A_134, %rem3A_188 : i32
      %jit3A_190 = arith.constant 8 : i32
      %div3A_191 = arith.divsi %add3A_134, %jit3A_190 : i32
      %sign3A_192 = arith.constant 0 : i32
      %sign3A_193 = arith.cmpi sgt, %add3A_134, %sign3A_192 : i32
      %sign3A_194 = arith.extui %sign3A_193 : i1 to i32
      %sign3A_195 = arith.constant 0 : i32
      %sign3A_196 = arith.cmpi slt, %add3A_134, %sign3A_195 : i32
      %sign3A_197 = arith.extui %sign3A_196 : i1 to i32
      %sign3A_198 = arith.subi %sign3A_194, %sign3A_197 : i32
      %sign3A_199 = arith.constant 0 : i32
      %sign3A_200 = arith.cmpi sgt, %jit3A_190, %sign3A_199 : i32
      %sign3A_201 = arith.extui %sign3A_200 : i1 to i32
      %sign3A_202 = arith.constant 0 : i32
      %sign3A_203 = arith.cmpi slt, %jit3A_190, %sign3A_202 : i32
      %sign3A_204 = arith.extui %sign3A_203 : i1 to i32
      %sign3A_205 = arith.subi %sign3A_201, %sign3A_204 : i32
      %ne3A_206 = arith.cmpi ne, %sign3A_198, %sign3A_205 : i32
      %rem3A_207 = arith.remsi %add3A_134, %jit3A_190 : i32
      %ne3A_208 = arith.constant 0 : i32
      %ne3A_209 = arith.cmpi ne, %rem3A_207, %ne3A_208 : i32
      %and3A_210 = arith.andi %ne3A_206, %ne3A_209 : i1
      %sub3A_211 = arith.constant 1 : i32
      %sub3A_212 = arith.subi %div3A_191, %sub3A_211 : i32
      %select_n3A_213 = arith.select %and3A_210, %sub3A_212, %div3A_191 : i32
      %rem3A_214 = arith.constant 2 : i32
      %rem3A_215 = arith.remsi %select_n3A_213, %rem3A_214 : i32
      %mul3A_216 = arith.constant 8 : i32
      %mul3A_217 = arith.muli %rem3A_215, %mul3A_216 : i32
      %add3A_218 = arith.addi %rem3A_189, %mul3A_217 : i32
      %dma_start3A_219 = arith.constant 0 : i32
      %dma_start3A_220 = tpu.memref_slice %arg9[%add3A_218, %dma_start3A_219] : memref<16x256xi32, #tpu.memory_space<vmem>> -> memref<1x256xi32, #tpu.memory_space<vmem>>
      %dma_start3A_221 = tpu.memref_squeeze %dma_start3A_220 : memref<1x256xi32, #tpu.memory_space<vmem>> -> memref<256xi32, #tpu.memory_space<vmem>>
      %dma_start3A_222 = arith.constant 0 : i32
      %dma_start3A_223 = arith.constant 0 : i32
      %dma_start3A_224 = tpu.memref_slice %arg14[%dma_start3A_222, %dma_start3A_223] : memref<20096x64xbf16, #tpu.memory_space<vmem_shared>> -> memref<20096x64xbf16, #tpu.memory_space<vmem_shared>>
      tpu.enqueue_indirect_dma source(%arg10 : memref<256x64xbf16, #tpu.memory_space<vmem>>) target(%dma_start3A_224 : memref<20096x64xbf16, #tpu.memory_space<vmem_shared>>) offsets(%dma_start3A_221 : memref<256xi32, #tpu.memory_space<vmem>>) semaphore(%arg21 : memref<!tpu.dma_semaphore, #tpu.memory_space<semaphore_mem>>) {add = true}
      %ge3A = arith.constant 1 : i32
      %ge3A_225 = arith.cmpi sge, %add3A_134, %ge3A : i32
      %convert_element_type3A_226 = arith.extui %ge3A_225 : i1 to i32
      %cond3A_227 = arith.constant 0 : i32
      %cond3A_228 = arith.cmpi ne, %convert_element_type3A_226, %cond3A_227 : i32
      scf.if %cond3A_228 {
        %rem3A_572 = arith.constant 8 : i32
        %rem3A_573 = arith.remsi %add3A_134, %rem3A_572 : i32
        %jit3A_574 = arith.constant 8 : i32
        %div3A_575 = arith.divsi %add3A_134, %jit3A_574 : i32
        %sign3A_576 = arith.constant 0 : i32
        %sign3A_577 = arith.cmpi sgt, %add3A_134, %sign3A_576 : i32
        %sign3A_578 = arith.extui %sign3A_577 : i1 to i32
        %sign3A_579 = arith.constant 0 : i32
        %sign3A_580 = arith.cmpi slt, %add3A_134, %sign3A_579 : i32
        %sign3A_581 = arith.extui %sign3A_580 : i1 to i32
        %sign3A_582 = arith.subi %sign3A_578, %sign3A_581 : i32
        %sign3A_583 = arith.constant 0 : i32
        %sign3A_584 = arith.cmpi sgt, %jit3A_574, %sign3A_583 : i32
        %sign3A_585 = arith.extui %sign3A_584 : i1 to i32
        %sign3A_586 = arith.constant 0 : i32
        %sign3A_587 = arith.cmpi slt, %jit3A_574, %sign3A_586 : i32
        %sign3A_588 = arith.extui %sign3A_587 : i1 to i32
        %sign3A_589 = arith.subi %sign3A_585, %sign3A_588 : i32
        %ne3A_590 = arith.cmpi ne, %sign3A_582, %sign3A_589 : i32
        %rem3A_591 = arith.remsi %add3A_134, %jit3A_574 : i32
        %ne3A_592 = arith.constant 0 : i32
        %ne3A_593 = arith.cmpi ne, %rem3A_591, %ne3A_592 : i32
        %and3A_594 = arith.andi %ne3A_590, %ne3A_593 : i1
        %sub3A_595 = arith.constant 1 : i32
        %sub3A_596 = arith.subi %div3A_575, %sub3A_595 : i32
        %select_n3A_597 = arith.select %and3A_594, %sub3A_596, %div3A_575 : i32
        %rem3A_598 = arith.constant 2 : i32
        %rem3A_599 = arith.remsi %select_n3A_597, %rem3A_598 : i32
        %mul3A_600 = arith.constant 8 : i32
        %mul3A_601 = arith.muli %rem3A_599, %mul3A_600 : i32
        %add3A_602 = arith.addi %rem3A_573, %mul3A_601 : i32
        %dma_wait3A_603 = arith.constant 0 : i32
        %dma_wait3A_604 = tpu.memref_slice %arg9[%add3A_602, %dma_wait3A_603] : memref<16x256xi32, #tpu.memory_space<vmem>> -> memref<1x256xi32, #tpu.memory_space<vmem>>
        %dma_wait3A_605 = tpu.memref_squeeze %dma_wait3A_604 : memref<1x256xi32, #tpu.memory_space<vmem>> -> memref<256xi32, #tpu.memory_space<vmem>>
        %dma_wait3A_606 = arith.constant 0 : i32
        %dma_wait3A_607 = arith.constant 0 : i32
        %dma_wait3A_608 = tpu.memref_slice %arg14[%dma_wait3A_606, %dma_wait3A_607] : memref<20096x64xbf16, #tpu.memory_space<vmem_shared>> -> memref<20096x64xbf16, #tpu.memory_space<vmem_shared>>
        tpu.wait_indirect_dma semaphore(%arg24 : memref<!tpu.dma_semaphore, #tpu.memory_space<semaphore_mem>>) src(%arg13 : memref<256x64xbf16, #tpu.memory_space<vmem>>) dst(%dma_wait3A_608 : memref<20096x64xbf16, #tpu.memory_space<vmem_shared>>)
      } else {
      }
      %add3A_229 = arith.constant 3 : i32
      %add3A_230 = arith.addi %add3A_134, %add3A_229 : i32
      %lt3A_231 = arith.constant 80 : i32
      %lt3A_232 = arith.cmpi slt, %add3A_230, %lt3A_231 : i32
      %convert_element_type3A_233 = arith.extui %lt3A_232 : i1 to i32
      %cond3A_234 = arith.constant 0 : i32
      %cond3A_235 = arith.cmpi ne, %convert_element_type3A_233, %cond3A_234 : i32
      scf.if %cond3A_235 {
        %add3A_572 = arith.constant 3 : i32
        %add3A_573 = arith.addi %add3A_134, %add3A_572 : i32
        %rem3A_574 = arith.constant 8 : i32
        %rem3A_575 = arith.remsi %add3A_573, %rem3A_574 : i32
        %jit3A_576 = arith.constant 8 : i32
        %div3A_577 = arith.divsi %add3A_573, %jit3A_576 : i32
        %sign3A_578 = arith.constant 0 : i32
        %sign3A_579 = arith.cmpi sgt, %add3A_573, %sign3A_578 : i32
        %sign3A_580 = arith.extui %sign3A_579 : i1 to i32
        %sign3A_581 = arith.constant 0 : i32
        %sign3A_582 = arith.cmpi slt, %add3A_573, %sign3A_581 : i32
        %sign3A_583 = arith.extui %sign3A_582 : i1 to i32
        %sign3A_584 = arith.subi %sign3A_580, %sign3A_583 : i32
        %sign3A_585 = arith.constant 0 : i32
        %sign3A_586 = arith.cmpi sgt, %jit3A_576, %sign3A_585 : i32
        %sign3A_587 = arith.extui %sign3A_586 : i1 to i32
        %sign3A_588 = arith.constant 0 : i32
        %sign3A_589 = arith.cmpi slt, %jit3A_576, %sign3A_588 : i32
        %sign3A_590 = arith.extui %sign3A_589 : i1 to i32
        %sign3A_591 = arith.subi %sign3A_587, %sign3A_590 : i32
        %ne3A_592 = arith.cmpi ne, %sign3A_584, %sign3A_591 : i32
        %rem3A_593 = arith.remsi %add3A_573, %jit3A_576 : i32
        %ne3A_594 = arith.constant 0 : i32
        %ne3A_595 = arith.cmpi ne, %rem3A_593, %ne3A_594 : i32
        %and3A_596 = arith.andi %ne3A_592, %ne3A_595 : i1
        %sub3A_597 = arith.constant 1 : i32
        %sub3A_598 = arith.subi %div3A_577, %sub3A_597 : i32
        %select_n3A_599 = arith.select %and3A_596, %sub3A_598, %div3A_577 : i32
        %rem3A_600 = arith.constant 2 : i32
        %rem3A_601 = arith.remsi %select_n3A_599, %rem3A_600 : i32
        %mul3A_602 = arith.constant 8 : i32
        %mul3A_603 = arith.muli %rem3A_601, %mul3A_602 : i32
        %add3A_604 = arith.addi %rem3A_575, %mul3A_603 : i32
        %dma_start3A_605 = arith.constant 0 : i32
        %dma_start3A_606 = tpu.memref_slice %arg8[%add3A_604, %dma_start3A_605] : memref<16x256xi32, #tpu.memory_space<vmem>> -> memref<1x256xi32, #tpu.memory_space<vmem>>
        %dma_start3A_607 = tpu.memref_squeeze %dma_start3A_606 : memref<1x256xi32, #tpu.memory_space<vmem>> -> memref<256xi32, #tpu.memory_space<vmem>>
        %dma_start3A_608 = arith.constant 0 : i32
        %dma_start3A_609 = arith.constant 0 : i32
        %dma_start3A_610 = tpu.memref_slice %arg2[%dma_start3A_608, %dma_start3A_609] : memref<20000x64xbf16, #tpu.memory_space<hbm>> -> memref<20000x64xbf16, #tpu.memory_space<hbm>>
        tpu.enqueue_indirect_dma source(%dma_start3A_610 : memref<20000x64xbf16, #tpu.memory_space<hbm>>) target(%arg13 : memref<256x64xbf16, #tpu.memory_space<vmem>>) offsets(%dma_start3A_607 : memref<256xi32, #tpu.memory_space<vmem>>) semaphore(%arg20 : memref<!tpu.dma_semaphore, #tpu.memory_space<semaphore_mem>>)
      } else {
      }
      %add3A_236 = arith.constant 1 : i32
      %add3A_237 = arith.addi %add3A_132, %add3A_236 : i32
      %rem3A_238 = arith.constant 8 : i32
      %rem3A_239 = arith.remsi %add3A_237, %rem3A_238 : i32
      %eq3A_240 = arith.constant 1 : i32
      %eq3A_241 = arith.cmpi eq, %rem3A_239, %eq3A_240 : i32
      %sub3A_242 = arith.constant 1 : i32
      %sub3A_243 = arith.subi %add3A_237, %sub3A_242 : i32
      %add3A_244 = arith.constant 8 : i32
      %add3A_245 = arith.addi %sub3A_243, %add3A_244 : i32
      %lt3A_246 = arith.constant 80 : i32
      %lt3A_247 = arith.cmpi slt, %add3A_245, %lt3A_246 : i32
      %and3A_248 = arith.andi %eq3A_241, %lt3A_247 : i1
      %convert_element_type3A_249 = arith.extui %and3A_248 : i1 to i32
      %cond3A_250 = arith.constant 0 : i32
      %cond3A_251 = arith.cmpi ne, %convert_element_type3A_249, %cond3A_250 : i32
      scf.if %cond3A_251 {
        %jit3A_572 = arith.constant 8 : i32
        %div3A_573 = arith.divsi %add3A_237, %jit3A_572 : i32
        %sign3A_574 = arith.constant 0 : i32
        %sign3A_575 = arith.cmpi sgt, %add3A_237, %sign3A_574 : i32
        %sign3A_576 = arith.extui %sign3A_575 : i1 to i32
        %sign3A_577 = arith.constant 0 : i32
        %sign3A_578 = arith.cmpi slt, %add3A_237, %sign3A_577 : i32
        %sign3A_579 = arith.extui %sign3A_578 : i1 to i32
        %sign3A_580 = arith.subi %sign3A_576, %sign3A_579 : i32
        %sign3A_581 = arith.constant 0 : i32
        %sign3A_582 = arith.cmpi sgt, %jit3A_572, %sign3A_581 : i32
        %sign3A_583 = arith.extui %sign3A_582 : i1 to i32
        %sign3A_584 = arith.constant 0 : i32
        %sign3A_585 = arith.cmpi slt, %jit3A_572, %sign3A_584 : i32
        %sign3A_586 = arith.extui %sign3A_585 : i1 to i32
        %sign3A_587 = arith.subi %sign3A_583, %sign3A_586 : i32
        %ne3A_588 = arith.cmpi ne, %sign3A_580, %sign3A_587 : i32
        %rem3A_589 = arith.remsi %add3A_237, %jit3A_572 : i32
        %ne3A_590 = arith.constant 0 : i32
        %ne3A_591 = arith.cmpi ne, %rem3A_589, %ne3A_590 : i32
        %and3A_592 = arith.andi %ne3A_588, %ne3A_591 : i1
        %sub3A_593 = arith.constant 1 : i32
        %sub3A_594 = arith.subi %div3A_573, %sub3A_593 : i32
        %select_n3A_595 = arith.select %and3A_592, %sub3A_594, %div3A_573 : i32
        %add3A_596 = arith.constant 1 : i32
        %add3A_597 = arith.addi %select_n3A_595, %add3A_596 : i32
        %rem3A_598 = arith.constant 2 : i32
        %rem3A_599 = arith.remsi %add3A_597, %rem3A_598 : i32
        %mul3A_600 = arith.constant 8 : i32
        %mul3A_601 = arith.muli %rem3A_599, %mul3A_600 : i32
        %mul3A_602 = arith.constant 8 : i32
        %mul3A_603 = arith.muli %add3A_597, %mul3A_602 : i32
        %add3A_604 = arith.addi %add3A, %mul3A_603 : i32
        %mul3A_605 = arith.constant 8 : i32
        %mul3A_606 = arith.muli %add3A_597, %mul3A_605 : i32
        %add3A_607 = arith.addi %mul3A_9, %mul3A_606 : i32
        %dma_start3A_608 = arith.constant 0 : i32
        %dma_start3A_609 = tpu.memref_slice %arg8[%mul3A_601, %dma_start3A_608] : memref<16x256xi32, #tpu.memory_space<vmem>> -> memref<8x256xi32, #tpu.memory_space<vmem>>
        %dma_start3A_610 = arith.constant 0 : i32
        %dma_start3A_611 = tpu.memref_slice %arg3[%add3A_604, %dma_start3A_610] : memref<2560x256xi32, #tpu.memory_space<hbm>> -> memref<8x256xi32, #tpu.memory_space<hbm>>
        %dma_start3A_612 = arith.constant 0 : i32
        %dma_start3A_613 = tpu.memref_slice %arg8[%mul3A_601, %dma_start3A_612] : memref<16x256xi32, #tpu.memory_space<vmem>> -> memref<8x256xi32, #tpu.memory_space<vmem>>
        %dma_start3A_614 = arith.constant 0 : i32
        %dma_start3A_615 = tpu.memref_slice %arg3[%add3A_604, %dma_start3A_614] : memref<2560x256xi32, #tpu.memory_space<hbm>> -> memref<8x256xi32, #tpu.memory_space<hbm>>
        tpu.enqueue_dma source(%dma_start3A_615 : memref<8x256xi32, #tpu.memory_space<hbm>>) target(%dma_start3A_613 : memref<8x256xi32, #tpu.memory_space<vmem>>) target_semaphore(%arg15 : memref<!tpu.dma_semaphore, #tpu.memory_space<semaphore_mem>>)
        %dma_start3A_616 = arith.constant 0 : i32
        %dma_start3A_617 = tpu.memref_slice %arg9[%mul3A_601, %dma_start3A_616] : memref<16x256xi32, #tpu.memory_space<vmem>> -> memref<8x256xi32, #tpu.memory_space<vmem>>
        %dma_start3A_618 = arith.constant 0 : i32
        %dma_start3A_619 = tpu.memref_slice %arg4[%add3A_607, %dma_start3A_618] : memref<1280x256xi32, #tpu.memory_space<hbm>> -> memref<8x256xi32, #tpu.memory_space<hbm>>
        %dma_start3A_620 = arith.constant 0 : i32
        %dma_start3A_621 = tpu.memref_slice %arg9[%mul3A_601, %dma_start3A_620] : memref<16x256xi32, #tpu.memory_space<vmem>> -> memref<8x256xi32, #tpu.memory_space<vmem>>
        %dma_start3A_622 = arith.constant 0 : i32
        %dma_start3A_623 = tpu.memref_slice %arg4[%add3A_607, %dma_start3A_622] : memref<1280x256xi32, #tpu.memory_space<hbm>> -> memref<8x256xi32, #tpu.memory_space<hbm>>
        tpu.enqueue_dma source(%dma_start3A_623 : memref<8x256xi32, #tpu.memory_space<hbm>>) target(%dma_start3A_621 : memref<8x256xi32, #tpu.memory_space<vmem>>) target_semaphore(%arg15 : memref<!tpu.dma_semaphore, #tpu.memory_space<semaphore_mem>>)
      } else {
      }
      %eq3A_252 = arith.constant 4 : i32
      %eq3A_253 = arith.cmpi eq, %rem3A_239, %eq3A_252 : i32
      %add3A_254 = arith.constant 4 : i32
      %add3A_255 = arith.addi %add3A_237, %add3A_254 : i32
      %lt3A_256 = arith.constant 80 : i32
      %lt3A_257 = arith.cmpi slt, %add3A_255, %lt3A_256 : i32
      %and3A_258 = arith.andi %eq3A_253, %lt3A_257 : i1
      %convert_element_type3A_259 = arith.extui %and3A_258 : i1 to i32
      %cond3A_260 = arith.constant 0 : i32
      %cond3A_261 = arith.cmpi ne, %convert_element_type3A_259, %cond3A_260 : i32
      scf.if %cond3A_261 {
        %jit3A_572 = arith.constant 8 : i32
        %div3A_573 = arith.divsi %add3A_237, %jit3A_572 : i32
        %sign3A_574 = arith.constant 0 : i32
        %sign3A_575 = arith.cmpi sgt, %add3A_237, %sign3A_574 : i32
        %sign3A_576 = arith.extui %sign3A_575 : i1 to i32
        %sign3A_577 = arith.constant 0 : i32
        %sign3A_578 = arith.cmpi slt, %add3A_237, %sign3A_577 : i32
        %sign3A_579 = arith.extui %sign3A_578 : i1 to i32
        %sign3A_580 = arith.subi %sign3A_576, %sign3A_579 : i32
        %sign3A_581 = arith.constant 0 : i32
        %sign3A_582 = arith.cmpi sgt, %jit3A_572, %sign3A_581 : i32
        %sign3A_583 = arith.extui %sign3A_582 : i1 to i32
        %sign3A_584 = arith.constant 0 : i32
        %sign3A_585 = arith.cmpi slt, %jit3A_572, %sign3A_584 : i32
        %sign3A_586 = arith.extui %sign3A_585 : i1 to i32
        %sign3A_587 = arith.subi %sign3A_583, %sign3A_586 : i32
        %ne3A_588 = arith.cmpi ne, %sign3A_580, %sign3A_587 : i32
        %rem3A_589 = arith.remsi %add3A_237, %jit3A_572 : i32
        %ne3A_590 = arith.constant 0 : i32
        %ne3A_591 = arith.cmpi ne, %rem3A_589, %ne3A_590 : i32
        %and3A_592 = arith.andi %ne3A_588, %ne3A_591 : i1
        %sub3A_593 = arith.constant 1 : i32
        %sub3A_594 = arith.subi %div3A_573, %sub3A_593 : i32
        %select_n3A_595 = arith.select %and3A_592, %sub3A_594, %div3A_573 : i32
        %add3A_596 = arith.constant 1 : i32
        %add3A_597 = arith.addi %select_n3A_595, %add3A_596 : i32
        %rem3A_598 = arith.constant 2 : i32
        %rem3A_599 = arith.remsi %add3A_597, %rem3A_598 : i32
        %mul3A_600 = arith.constant 8 : i32
        %mul3A_601 = arith.muli %rem3A_599, %mul3A_600 : i32
        %mul3A_602 = arith.constant 8 : i32
        %mul3A_603 = arith.muli %add3A_597, %mul3A_602 : i32
        %add3A_604 = arith.addi %add3A, %mul3A_603 : i32
        %mul3A_605 = arith.constant 8 : i32
        %mul3A_606 = arith.muli %add3A_597, %mul3A_605 : i32
        %add3A_607 = arith.addi %mul3A_9, %mul3A_606 : i32
        %dma_wait3A_608 = arith.constant 0 : i32
        %dma_wait3A_609 = tpu.memref_slice %arg8[%mul3A_601, %dma_wait3A_608] : memref<16x256xi32, #tpu.memory_space<vmem>> -> memref<8x256xi32, #tpu.memory_space<vmem>>
        %dma_wait3A_610 = arith.constant 0 : i32
        %dma_wait3A_611 = tpu.memref_slice %arg3[%add3A_604, %dma_wait3A_610] : memref<2560x256xi32, #tpu.memory_space<hbm>> -> memref<8x256xi32, #tpu.memory_space<hbm>>
        %dma_wait3A_612 = arith.constant 0 : i32
        %dma_wait3A_613 = tpu.memref_slice %arg8[%mul3A_601, %dma_wait3A_612] : memref<16x256xi32, #tpu.memory_space<vmem>> -> memref<8x256xi32, #tpu.memory_space<vmem>>
        %dma_wait3A_614 = arith.constant 0 : i32
        %dma_wait3A_615 = tpu.memref_slice %arg3[%add3A_604, %dma_wait3A_614] : memref<2560x256xi32, #tpu.memory_space<hbm>> -> memref<8x256xi32, #tpu.memory_space<hbm>>
        tpu.wait_dma2 semaphore(%arg15 : memref<!tpu.dma_semaphore, #tpu.memory_space<semaphore_mem>>) src(%dma_wait3A_615 : memref<8x256xi32, #tpu.memory_space<hbm>>) dst(%dma_wait3A_613 : memref<8x256xi32, #tpu.memory_space<vmem>>)
        %dma_wait3A_616 = arith.constant 0 : i32
        %dma_wait3A_617 = tpu.memref_slice %arg9[%mul3A_601, %dma_wait3A_616] : memref<16x256xi32, #tpu.memory_space<vmem>> -> memref<8x256xi32, #tpu.memory_space<vmem>>
        %dma_wait3A_618 = arith.constant 0 : i32
        %dma_wait3A_619 = tpu.memref_slice %arg4[%add3A_607, %dma_wait3A_618] : memref<1280x256xi32, #tpu.memory_space<hbm>> -> memref<8x256xi32, #tpu.memory_space<hbm>>
        %dma_wait3A_620 = arith.constant 0 : i32
        %dma_wait3A_621 = tpu.memref_slice %arg9[%mul3A_601, %dma_wait3A_620] : memref<16x256xi32, #tpu.memory_space<vmem>> -> memref<8x256xi32, #tpu.memory_space<vmem>>
        %dma_wait3A_622 = arith.constant 0 : i32
        %dma_wait3A_623 = tpu.memref_slice %arg4[%add3A_607, %dma_wait3A_622] : memref<1280x256xi32, #tpu.memory_space<hbm>> -> memref<8x256xi32, #tpu.memory_space<hbm>>
        tpu.wait_dma2 semaphore(%arg15 : memref<!tpu.dma_semaphore, #tpu.memory_space<semaphore_mem>>) src(%dma_wait3A_623 : memref<8x256xi32, #tpu.memory_space<hbm>>) dst(%dma_wait3A_621 : memref<8x256xi32, #tpu.memory_space<vmem>>)
      } else {
      }
      %rem3A_262 = arith.constant 8 : i32
      %rem3A_263 = arith.remsi %add3A_237, %rem3A_262 : i32
      %jit3A_264 = arith.constant 8 : i32
      %div3A_265 = arith.divsi %add3A_237, %jit3A_264 : i32
      %sign3A_266 = arith.constant 0 : i32
      %sign3A_267 = arith.cmpi sgt, %add3A_237, %sign3A_266 : i32
      %sign3A_268 = arith.extui %sign3A_267 : i1 to i32
      %sign3A_269 = arith.constant 0 : i32
      %sign3A_270 = arith.cmpi slt, %add3A_237, %sign3A_269 : i32
      %sign3A_271 = arith.extui %sign3A_270 : i1 to i32
      %sign3A_272 = arith.subi %sign3A_268, %sign3A_271 : i32
      %sign3A_273 = arith.constant 0 : i32
      %sign3A_274 = arith.cmpi sgt, %jit3A_264, %sign3A_273 : i32
      %sign3A_275 = arith.extui %sign3A_274 : i1 to i32
      %sign3A_276 = arith.constant 0 : i32
      %sign3A_277 = arith.cmpi slt, %jit3A_264, %sign3A_276 : i32
      %sign3A_278 = arith.extui %sign3A_277 : i1 to i32
      %sign3A_279 = arith.subi %sign3A_275, %sign3A_278 : i32
      %ne3A_280 = arith.cmpi ne, %sign3A_272, %sign3A_279 : i32
      %rem3A_281 = arith.remsi %add3A_237, %jit3A_264 : i32
      %ne3A_282 = arith.constant 0 : i32
      %ne3A_283 = arith.cmpi ne, %rem3A_281, %ne3A_282 : i32
      %and3A_284 = arith.andi %ne3A_280, %ne3A_283 : i1
      %sub3A_285 = arith.constant 1 : i32
      %sub3A_286 = arith.subi %div3A_265, %sub3A_285 : i32
      %select_n3A_287 = arith.select %and3A_284, %sub3A_286, %div3A_265 : i32
      %rem3A_288 = arith.constant 2 : i32
      %rem3A_289 = arith.remsi %select_n3A_287, %rem3A_288 : i32
      %mul3A_290 = arith.constant 8 : i32
      %mul3A_291 = arith.muli %rem3A_289, %mul3A_290 : i32
      %add3A_292 = arith.addi %rem3A_263, %mul3A_291 : i32
      %dma_wait3A_293 = arith.constant 0 : i32
      %dma_wait3A_294 = tpu.memref_slice %arg8[%add3A_292, %dma_wait3A_293] : memref<16x256xi32, #tpu.memory_space<vmem>> -> memref<1x256xi32, #tpu.memory_space<vmem>>
      %dma_wait3A_295 = tpu.memref_squeeze %dma_wait3A_294 : memref<1x256xi32, #tpu.memory_space<vmem>> -> memref<256xi32, #tpu.memory_space<vmem>>
      %dma_wait3A_296 = arith.constant 0 : i32
      %dma_wait3A_297 = arith.constant 0 : i32
      %dma_wait3A_298 = tpu.memref_slice %arg2[%dma_wait3A_296, %dma_wait3A_297] : memref<20000x64xbf16, #tpu.memory_space<hbm>> -> memref<20000x64xbf16, #tpu.memory_space<hbm>>
      tpu.wait_indirect_dma semaphore(%arg18 : memref<!tpu.dma_semaphore, #tpu.memory_space<semaphore_mem>>) src(%dma_wait3A_298 : memref<20000x64xbf16, #tpu.memory_space<hbm>>) dst(%arg11 : memref<256x64xbf16, #tpu.memory_space<vmem>>)
      %rem3A_299 = arith.constant 8 : i32
      %rem3A_300 = arith.remsi %add3A_237, %rem3A_299 : i32
      %jit3A_301 = arith.constant 8 : i32
      %div3A_302 = arith.divsi %add3A_237, %jit3A_301 : i32
      %sign3A_303 = arith.constant 0 : i32
      %sign3A_304 = arith.cmpi sgt, %add3A_237, %sign3A_303 : i32
      %sign3A_305 = arith.extui %sign3A_304 : i1 to i32
      %sign3A_306 = arith.constant 0 : i32
      %sign3A_307 = arith.cmpi slt, %add3A_237, %sign3A_306 : i32
      %sign3A_308 = arith.extui %sign3A_307 : i1 to i32
      %sign3A_309 = arith.subi %sign3A_305, %sign3A_308 : i32
      %sign3A_310 = arith.constant 0 : i32
      %sign3A_311 = arith.cmpi sgt, %jit3A_301, %sign3A_310 : i32
      %sign3A_312 = arith.extui %sign3A_311 : i1 to i32
      %sign3A_313 = arith.constant 0 : i32
      %sign3A_314 = arith.cmpi slt, %jit3A_301, %sign3A_313 : i32
      %sign3A_315 = arith.extui %sign3A_314 : i1 to i32
      %sign3A_316 = arith.subi %sign3A_312, %sign3A_315 : i32
      %ne3A_317 = arith.cmpi ne, %sign3A_309, %sign3A_316 : i32
      %rem3A_318 = arith.remsi %add3A_237, %jit3A_301 : i32
      %ne3A_319 = arith.constant 0 : i32
      %ne3A_320 = arith.cmpi ne, %rem3A_318, %ne3A_319 : i32
      %and3A_321 = arith.andi %ne3A_317, %ne3A_320 : i1
      %sub3A_322 = arith.constant 1 : i32
      %sub3A_323 = arith.subi %div3A_302, %sub3A_322 : i32
      %select_n3A_324 = arith.select %and3A_321, %sub3A_323, %div3A_302 : i32
      %rem3A_325 = arith.constant 2 : i32
      %rem3A_326 = arith.remsi %select_n3A_324, %rem3A_325 : i32
      %mul3A_327 = arith.constant 8 : i32
      %mul3A_328 = arith.muli %rem3A_326, %mul3A_327 : i32
      %add3A_329 = arith.addi %rem3A_300, %mul3A_328 : i32
      %dma_start3A_330 = arith.constant 0 : i32
      %dma_start3A_331 = tpu.memref_slice %arg9[%add3A_329, %dma_start3A_330] : memref<16x256xi32, #tpu.memory_space<vmem>> -> memref<1x256xi32, #tpu.memory_space<vmem>>
      %dma_start3A_332 = tpu.memref_squeeze %dma_start3A_331 : memref<1x256xi32, #tpu.memory_space<vmem>> -> memref<256xi32, #tpu.memory_space<vmem>>
      %dma_start3A_333 = arith.constant 0 : i32
      %dma_start3A_334 = arith.constant 0 : i32
      %dma_start3A_335 = tpu.memref_slice %arg14[%dma_start3A_333, %dma_start3A_334] : memref<20096x64xbf16, #tpu.memory_space<vmem_shared>> -> memref<20096x64xbf16, #tpu.memory_space<vmem_shared>>
      tpu.enqueue_indirect_dma source(%arg11 : memref<256x64xbf16, #tpu.memory_space<vmem>>) target(%dma_start3A_335 : memref<20096x64xbf16, #tpu.memory_space<vmem_shared>>) offsets(%dma_start3A_332 : memref<256xi32, #tpu.memory_space<vmem>>) semaphore(%arg22 : memref<!tpu.dma_semaphore, #tpu.memory_space<semaphore_mem>>) {add = true}
      %ge3A_336 = arith.constant 1 : i32
      %ge3A_337 = arith.cmpi sge, %add3A_237, %ge3A_336 : i32
      %convert_element_type3A_338 = arith.extui %ge3A_337 : i1 to i32
      %cond3A_339 = arith.constant 0 : i32
      %cond3A_340 = arith.cmpi ne, %convert_element_type3A_338, %cond3A_339 : i32
      scf.if %cond3A_340 {
        %rem3A_572 = arith.constant 8 : i32
        %rem3A_573 = arith.remsi %add3A_237, %rem3A_572 : i32
        %jit3A_574 = arith.constant 8 : i32
        %div3A_575 = arith.divsi %add3A_237, %jit3A_574 : i32
        %sign3A_576 = arith.constant 0 : i32
        %sign3A_577 = arith.cmpi sgt, %add3A_237, %sign3A_576 : i32
        %sign3A_578 = arith.extui %sign3A_577 : i1 to i32
        %sign3A_579 = arith.constant 0 : i32
        %sign3A_580 = arith.cmpi slt, %add3A_237, %sign3A_579 : i32
        %sign3A_581 = arith.extui %sign3A_580 : i1 to i32
        %sign3A_582 = arith.subi %sign3A_578, %sign3A_581 : i32
        %sign3A_583 = arith.constant 0 : i32
        %sign3A_584 = arith.cmpi sgt, %jit3A_574, %sign3A_583 : i32
        %sign3A_585 = arith.extui %sign3A_584 : i1 to i32
        %sign3A_586 = arith.constant 0 : i32
        %sign3A_587 = arith.cmpi slt, %jit3A_574, %sign3A_586 : i32
        %sign3A_588 = arith.extui %sign3A_587 : i1 to i32
        %sign3A_589 = arith.subi %sign3A_585, %sign3A_588 : i32
        %ne3A_590 = arith.cmpi ne, %sign3A_582, %sign3A_589 : i32
        %rem3A_591 = arith.remsi %add3A_237, %jit3A_574 : i32
        %ne3A_592 = arith.constant 0 : i32
        %ne3A_593 = arith.cmpi ne, %rem3A_591, %ne3A_592 : i32
        %and3A_594 = arith.andi %ne3A_590, %ne3A_593 : i1
        %sub3A_595 = arith.constant 1 : i32
        %sub3A_596 = arith.subi %div3A_575, %sub3A_595 : i32
        %select_n3A_597 = arith.select %and3A_594, %sub3A_596, %div3A_575 : i32
        %rem3A_598 = arith.constant 2 : i32
        %rem3A_599 = arith.remsi %select_n3A_597, %rem3A_598 : i32
        %mul3A_600 = arith.constant 8 : i32
        %mul3A_601 = arith.muli %rem3A_599, %mul3A_600 : i32
        %add3A_602 = arith.addi %rem3A_573, %mul3A_601 : i32
        %dma_wait3A_603 = arith.constant 0 : i32
        %dma_wait3A_604 = tpu.memref_slice %arg9[%add3A_602, %dma_wait3A_603] : memref<16x256xi32, #tpu.memory_space<vmem>> -> memref<1x256xi32, #tpu.memory_space<vmem>>
        %dma_wait3A_605 = tpu.memref_squeeze %dma_wait3A_604 : memref<1x256xi32, #tpu.memory_space<vmem>> -> memref<256xi32, #tpu.memory_space<vmem>>
        %dma_wait3A_606 = arith.constant 0 : i32
        %dma_wait3A_607 = arith.constant 0 : i32
        %dma_wait3A_608 = tpu.memref_slice %arg14[%dma_wait3A_606, %dma_wait3A_607] : memref<20096x64xbf16, #tpu.memory_space<vmem_shared>> -> memref<20096x64xbf16, #tpu.memory_space<vmem_shared>>
        tpu.wait_indirect_dma semaphore(%arg21 : memref<!tpu.dma_semaphore, #tpu.memory_space<semaphore_mem>>) src(%arg10 : memref<256x64xbf16, #tpu.memory_space<vmem>>) dst(%dma_wait3A_608 : memref<20096x64xbf16, #tpu.memory_space<vmem_shared>>)
      } else {
      }
      %add3A_341 = arith.constant 3 : i32
      %add3A_342 = arith.addi %add3A_237, %add3A_341 : i32
      %lt3A_343 = arith.constant 80 : i32
      %lt3A_344 = arith.cmpi slt, %add3A_342, %lt3A_343 : i32
      %convert_element_type3A_345 = arith.extui %lt3A_344 : i1 to i32
      %cond3A_346 = arith.constant 0 : i32
      %cond3A_347 = arith.cmpi ne, %convert_element_type3A_345, %cond3A_346 : i32
      scf.if %cond3A_347 {
        %add3A_572 = arith.constant 3 : i32
        %add3A_573 = arith.addi %add3A_237, %add3A_572 : i32
        %rem3A_574 = arith.constant 8 : i32
        %rem3A_575 = arith.remsi %add3A_573, %rem3A_574 : i32
        %jit3A_576 = arith.constant 8 : i32
        %div3A_577 = arith.divsi %add3A_573, %jit3A_576 : i32
        %sign3A_578 = arith.constant 0 : i32
        %sign3A_579 = arith.cmpi sgt, %add3A_573, %sign3A_578 : i32
        %sign3A_580 = arith.extui %sign3A_579 : i1 to i32
        %sign3A_581 = arith.constant 0 : i32
        %sign3A_582 = arith.cmpi slt, %add3A_573, %sign3A_581 : i32
        %sign3A_583 = arith.extui %sign3A_582 : i1 to i32
        %sign3A_584 = arith.subi %sign3A_580, %sign3A_583 : i32
        %sign3A_585 = arith.constant 0 : i32
        %sign3A_586 = arith.cmpi sgt, %jit3A_576, %sign3A_585 : i32
        %sign3A_587 = arith.extui %sign3A_586 : i1 to i32
        %sign3A_588 = arith.constant 0 : i32
        %sign3A_589 = arith.cmpi slt, %jit3A_576, %sign3A_588 : i32
        %sign3A_590 = arith.extui %sign3A_589 : i1 to i32
        %sign3A_591 = arith.subi %sign3A_587, %sign3A_590 : i32
        %ne3A_592 = arith.cmpi ne, %sign3A_584, %sign3A_591 : i32
        %rem3A_593 = arith.remsi %add3A_573, %jit3A_576 : i32
        %ne3A_594 = arith.constant 0 : i32
        %ne3A_595 = arith.cmpi ne, %rem3A_593, %ne3A_594 : i32
        %and3A_596 = arith.andi %ne3A_592, %ne3A_595 : i1
        %sub3A_597 = arith.constant 1 : i32
        %sub3A_598 = arith.subi %div3A_577, %sub3A_597 : i32
        %select_n3A_599 = arith.select %and3A_596, %sub3A_598, %div3A_577 : i32
        %rem3A_600 = arith.constant 2 : i32
        %rem3A_601 = arith.remsi %select_n3A_599, %rem3A_600 : i32
        %mul3A_602 = arith.constant 8 : i32
        %mul3A_603 = arith.muli %rem3A_601, %mul3A_602 : i32
        %add3A_604 = arith.addi %rem3A_575, %mul3A_603 : i32
        %dma_start3A_605 = arith.constant 0 : i32
        %dma_start3A_606 = tpu.memref_slice %arg8[%add3A_604, %dma_start3A_605] : memref<16x256xi32, #tpu.memory_space<vmem>> -> memref<1x256xi32, #tpu.memory_space<vmem>>
        %dma_start3A_607 = tpu.memref_squeeze %dma_start3A_606 : memref<1x256xi32, #tpu.memory_space<vmem>> -> memref<256xi32, #tpu.memory_space<vmem>>
        %dma_start3A_608 = arith.constant 0 : i32
        %dma_start3A_609 = arith.constant 0 : i32
        %dma_start3A_610 = tpu.memref_slice %arg2[%dma_start3A_608, %dma_start3A_609] : memref<20000x64xbf16, #tpu.memory_space<hbm>> -> memref<20000x64xbf16, #tpu.memory_space<hbm>>
        tpu.enqueue_indirect_dma source(%dma_start3A_610 : memref<20000x64xbf16, #tpu.memory_space<hbm>>) target(%arg10 : memref<256x64xbf16, #tpu.memory_space<vmem>>) offsets(%dma_start3A_607 : memref<256xi32, #tpu.memory_space<vmem>>) semaphore(%arg17 : memref<!tpu.dma_semaphore, #tpu.memory_space<semaphore_mem>>)
      } else {
      }
      %add3A_348 = arith.constant 2 : i32
      %add3A_349 = arith.addi %add3A_132, %add3A_348 : i32
      %rem3A_350 = arith.constant 8 : i32
      %rem3A_351 = arith.remsi %add3A_349, %rem3A_350 : i32
      %eq3A_352 = arith.constant 1 : i32
      %eq3A_353 = arith.cmpi eq, %rem3A_351, %eq3A_352 : i32
      %sub3A_354 = arith.constant 1 : i32
      %sub3A_355 = arith.subi %add3A_349, %sub3A_354 : i32
      %add3A_356 = arith.constant 8 : i32
      %add3A_357 = arith.addi %sub3A_355, %add3A_356 : i32
      %lt3A_358 = arith.constant 80 : i32
      %lt3A_359 = arith.cmpi slt, %add3A_357, %lt3A_358 : i32
      %and3A_360 = arith.andi %eq3A_353, %lt3A_359 : i1
      %convert_element_type3A_361 = arith.extui %and3A_360 : i1 to i32
      %cond3A_362 = arith.constant 0 : i32
      %cond3A_363 = arith.cmpi ne, %convert_element_type3A_361, %cond3A_362 : i32
      scf.if %cond3A_363 {
        %jit3A_572 = arith.constant 8 : i32
        %div3A_573 = arith.divsi %add3A_349, %jit3A_572 : i32
        %sign3A_574 = arith.constant 0 : i32
        %sign3A_575 = arith.cmpi sgt, %add3A_349, %sign3A_574 : i32
        %sign3A_576 = arith.extui %sign3A_575 : i1 to i32
        %sign3A_577 = arith.constant 0 : i32
        %sign3A_578 = arith.cmpi slt, %add3A_349, %sign3A_577 : i32
        %sign3A_579 = arith.extui %sign3A_578 : i1 to i32
        %sign3A_580 = arith.subi %sign3A_576, %sign3A_579 : i32
        %sign3A_581 = arith.constant 0 : i32
        %sign3A_582 = arith.cmpi sgt, %jit3A_572, %sign3A_581 : i32
        %sign3A_583 = arith.extui %sign3A_582 : i1 to i32
        %sign3A_584 = arith.constant 0 : i32
        %sign3A_585 = arith.cmpi slt, %jit3A_572, %sign3A_584 : i32
        %sign3A_586 = arith.extui %sign3A_585 : i1 to i32
        %sign3A_587 = arith.subi %sign3A_583, %sign3A_586 : i32
        %ne3A_588 = arith.cmpi ne, %sign3A_580, %sign3A_587 : i32
        %rem3A_589 = arith.remsi %add3A_349, %jit3A_572 : i32
        %ne3A_590 = arith.constant 0 : i32
        %ne3A_591 = arith.cmpi ne, %rem3A_589, %ne3A_590 : i32
        %and3A_592 = arith.andi %ne3A_588, %ne3A_591 : i1
        %sub3A_593 = arith.constant 1 : i32
        %sub3A_594 = arith.subi %div3A_573, %sub3A_593 : i32
        %select_n3A_595 = arith.select %and3A_592, %sub3A_594, %div3A_573 : i32
        %add3A_596 = arith.constant 1 : i32
        %add3A_597 = arith.addi %select_n3A_595, %add3A_596 : i32
        %rem3A_598 = arith.constant 2 : i32
        %rem3A_599 = arith.remsi %add3A_597, %rem3A_598 : i32
        %mul3A_600 = arith.constant 8 : i32
        %mul3A_601 = arith.muli %rem3A_599, %mul3A_600 : i32
        %mul3A_602 = arith.constant 8 : i32
        %mul3A_603 = arith.muli %add3A_597, %mul3A_602 : i32
        %add3A_604 = arith.addi %add3A, %mul3A_603 : i32
        %mul3A_605 = arith.constant 8 : i32
        %mul3A_606 = arith.muli %add3A_597, %mul3A_605 : i32
        %add3A_607 = arith.addi %mul3A_9, %mul3A_606 : i32
        %dma_start3A_608 = arith.constant 0 : i32
        %dma_start3A_609 = tpu.memref_slice %arg8[%mul3A_601, %dma_start3A_608] : memref<16x256xi32, #tpu.memory_space<vmem>> -> memref<8x256xi32, #tpu.memory_space<vmem>>
        %dma_start3A_610 = arith.constant 0 : i32
        %dma_start3A_611 = tpu.memref_slice %arg3[%add3A_604, %dma_start3A_610] : memref<2560x256xi32, #tpu.memory_space<hbm>> -> memref<8x256xi32, #tpu.memory_space<hbm>>
        %dma_start3A_612 = arith.constant 0 : i32
        %dma_start3A_613 = tpu.memref_slice %arg8[%mul3A_601, %dma_start3A_612] : memref<16x256xi32, #tpu.memory_space<vmem>> -> memref<8x256xi32, #tpu.memory_space<vmem>>
        %dma_start3A_614 = arith.constant 0 : i32
        %dma_start3A_615 = tpu.memref_slice %arg3[%add3A_604, %dma_start3A_614] : memref<2560x256xi32, #tpu.memory_space<hbm>> -> memref<8x256xi32, #tpu.memory_space<hbm>>
        tpu.enqueue_dma source(%dma_start3A_615 : memref<8x256xi32, #tpu.memory_space<hbm>>) target(%dma_start3A_613 : memref<8x256xi32, #tpu.memory_space<vmem>>) target_semaphore(%arg15 : memref<!tpu.dma_semaphore, #tpu.memory_space<semaphore_mem>>)
        %dma_start3A_616 = arith.constant 0 : i32
        %dma_start3A_617 = tpu.memref_slice %arg9[%mul3A_601, %dma_start3A_616] : memref<16x256xi32, #tpu.memory_space<vmem>> -> memref<8x256xi32, #tpu.memory_space<vmem>>
        %dma_start3A_618 = arith.constant 0 : i32
        %dma_start3A_619 = tpu.memref_slice %arg4[%add3A_607, %dma_start3A_618] : memref<1280x256xi32, #tpu.memory_space<hbm>> -> memref<8x256xi32, #tpu.memory_space<hbm>>
        %dma_start3A_620 = arith.constant 0 : i32
        %dma_start3A_621 = tpu.memref_slice %arg9[%mul3A_601, %dma_start3A_620] : memref<16x256xi32, #tpu.memory_space<vmem>> -> memref<8x256xi32, #tpu.memory_space<vmem>>
        %dma_start3A_622 = arith.constant 0 : i32
        %dma_start3A_623 = tpu.memref_slice %arg4[%add3A_607, %dma_start3A_622] : memref<1280x256xi32, #tpu.memory_space<hbm>> -> memref<8x256xi32, #tpu.memory_space<hbm>>
        tpu.enqueue_dma source(%dma_start3A_623 : memref<8x256xi32, #tpu.memory_space<hbm>>) target(%dma_start3A_621 : memref<8x256xi32, #tpu.memory_space<vmem>>) target_semaphore(%arg15 : memref<!tpu.dma_semaphore, #tpu.memory_space<semaphore_mem>>)
      } else {
      }
      %eq3A_364 = arith.constant 4 : i32
      %eq3A_365 = arith.cmpi eq, %rem3A_351, %eq3A_364 : i32
      %add3A_366 = arith.constant 4 : i32
      %add3A_367 = arith.addi %add3A_349, %add3A_366 : i32
      %lt3A_368 = arith.constant 80 : i32
      %lt3A_369 = arith.cmpi slt, %add3A_367, %lt3A_368 : i32
      %and3A_370 = arith.andi %eq3A_365, %lt3A_369 : i1
      %convert_element_type3A_371 = arith.extui %and3A_370 : i1 to i32
      %cond3A_372 = arith.constant 0 : i32
      %cond3A_373 = arith.cmpi ne, %convert_element_type3A_371, %cond3A_372 : i32
      scf.if %cond3A_373 {
        %jit3A_572 = arith.constant 8 : i32
        %div3A_573 = arith.divsi %add3A_349, %jit3A_572 : i32
        %sign3A_574 = arith.constant 0 : i32
        %sign3A_575 = arith.cmpi sgt, %add3A_349, %sign3A_574 : i32
        %sign3A_576 = arith.extui %sign3A_575 : i1 to i32
        %sign3A_577 = arith.constant 0 : i32
        %sign3A_578 = arith.cmpi slt, %add3A_349, %sign3A_577 : i32
        %sign3A_579 = arith.extui %sign3A_578 : i1 to i32
        %sign3A_580 = arith.subi %sign3A_576, %sign3A_579 : i32
        %sign3A_581 = arith.constant 0 : i32
        %sign3A_582 = arith.cmpi sgt, %jit3A_572, %sign3A_581 : i32
        %sign3A_583 = arith.extui %sign3A_582 : i1 to i32
        %sign3A_584 = arith.constant 0 : i32
        %sign3A_585 = arith.cmpi slt, %jit3A_572, %sign3A_584 : i32
        %sign3A_586 = arith.extui %sign3A_585 : i1 to i32
        %sign3A_587 = arith.subi %sign3A_583, %sign3A_586 : i32
        %ne3A_588 = arith.cmpi ne, %sign3A_580, %sign3A_587 : i32
        %rem3A_589 = arith.remsi %add3A_349, %jit3A_572 : i32
        %ne3A_590 = arith.constant 0 : i32
        %ne3A_591 = arith.cmpi ne, %rem3A_589, %ne3A_590 : i32
        %and3A_592 = arith.andi %ne3A_588, %ne3A_591 : i1
        %sub3A_593 = arith.constant 1 : i32
        %sub3A_594 = arith.subi %div3A_573, %sub3A_593 : i32
        %select_n3A_595 = arith.select %and3A_592, %sub3A_594, %div3A_573 : i32
        %add3A_596 = arith.constant 1 : i32
        %add3A_597 = arith.addi %select_n3A_595, %add3A_596 : i32
        %rem3A_598 = arith.constant 2 : i32
        %rem3A_599 = arith.remsi %add3A_597, %rem3A_598 : i32
        %mul3A_600 = arith.constant 8 : i32
        %mul3A_601 = arith.muli %rem3A_599, %mul3A_600 : i32
        %mul3A_602 = arith.constant 8 : i32
        %mul3A_603 = arith.muli %add3A_597, %mul3A_602 : i32
        %add3A_604 = arith.addi %add3A, %mul3A_603 : i32
        %mul3A_605 = arith.constant 8 : i32
        %mul3A_606 = arith.muli %add3A_597, %mul3A_605 : i32
        %add3A_607 = arith.addi %mul3A_9, %mul3A_606 : i32
        %dma_wait3A_608 = arith.constant 0 : i32
        %dma_wait3A_609 = tpu.memref_slice %arg8[%mul3A_601, %dma_wait3A_608] : memref<16x256xi32, #tpu.memory_space<vmem>> -> memref<8x256xi32, #tpu.memory_space<vmem>>
        %dma_wait3A_610 = arith.constant 0 : i32
        %dma_wait3A_611 = tpu.memref_slice %arg3[%add3A_604, %dma_wait3A_610] : memref<2560x256xi32, #tpu.memory_space<hbm>> -> memref<8x256xi32, #tpu.memory_space<hbm>>
        %dma_wait3A_612 = arith.constant 0 : i32
        %dma_wait3A_613 = tpu.memref_slice %arg8[%mul3A_601, %dma_wait3A_612] : memref<16x256xi32, #tpu.memory_space<vmem>> -> memref<8x256xi32, #tpu.memory_space<vmem>>
        %dma_wait3A_614 = arith.constant 0 : i32
        %dma_wait3A_615 = tpu.memref_slice %arg3[%add3A_604, %dma_wait3A_614] : memref<2560x256xi32, #tpu.memory_space<hbm>> -> memref<8x256xi32, #tpu.memory_space<hbm>>
        tpu.wait_dma2 semaphore(%arg15 : memref<!tpu.dma_semaphore, #tpu.memory_space<semaphore_mem>>) src(%dma_wait3A_615 : memref<8x256xi32, #tpu.memory_space<hbm>>) dst(%dma_wait3A_613 : memref<8x256xi32, #tpu.memory_space<vmem>>)
        %dma_wait3A_616 = arith.constant 0 : i32
        %dma_wait3A_617 = tpu.memref_slice %arg9[%mul3A_601, %dma_wait3A_616] : memref<16x256xi32, #tpu.memory_space<vmem>> -> memref<8x256xi32, #tpu.memory_space<vmem>>
        %dma_wait3A_618 = arith.constant 0 : i32
        %dma_wait3A_619 = tpu.memref_slice %arg4[%add3A_607, %dma_wait3A_618] : memref<1280x256xi32, #tpu.memory_space<hbm>> -> memref<8x256xi32, #tpu.memory_space<hbm>>
        %dma_wait3A_620 = arith.constant 0 : i32
        %dma_wait3A_621 = tpu.memref_slice %arg9[%mul3A_601, %dma_wait3A_620] : memref<16x256xi32, #tpu.memory_space<vmem>> -> memref<8x256xi32, #tpu.memory_space<vmem>>
        %dma_wait3A_622 = arith.constant 0 : i32
        %dma_wait3A_623 = tpu.memref_slice %arg4[%add3A_607, %dma_wait3A_622] : memref<1280x256xi32, #tpu.memory_space<hbm>> -> memref<8x256xi32, #tpu.memory_space<hbm>>
        tpu.wait_dma2 semaphore(%arg15 : memref<!tpu.dma_semaphore, #tpu.memory_space<semaphore_mem>>) src(%dma_wait3A_623 : memref<8x256xi32, #tpu.memory_space<hbm>>) dst(%dma_wait3A_621 : memref<8x256xi32, #tpu.memory_space<vmem>>)
      } else {
      }
      %rem3A_374 = arith.constant 8 : i32
      %rem3A_375 = arith.remsi %add3A_349, %rem3A_374 : i32
      %jit3A_376 = arith.constant 8 : i32
      %div3A_377 = arith.divsi %add3A_349, %jit3A_376 : i32
      %sign3A_378 = arith.constant 0 : i32
      %sign3A_379 = arith.cmpi sgt, %add3A_349, %sign3A_378 : i32
      %sign3A_380 = arith.extui %sign3A_379 : i1 to i32
      %sign3A_381 = arith.constant 0 : i32
      %sign3A_382 = arith.cmpi slt, %add3A_349, %sign3A_381 : i32
      %sign3A_383 = arith.extui %sign3A_382 : i1 to i32
      %sign3A_384 = arith.subi %sign3A_380, %sign3A_383 : i32
      %sign3A_385 = arith.constant 0 : i32
      %sign3A_386 = arith.cmpi sgt, %jit3A_376, %sign3A_385 : i32
      %sign3A_387 = arith.extui %sign3A_386 : i1 to i32
      %sign3A_388 = arith.constant 0 : i32
      %sign3A_389 = arith.cmpi slt, %jit3A_376, %sign3A_388 : i32
      %sign3A_390 = arith.extui %sign3A_389 : i1 to i32
      %sign3A_391 = arith.subi %sign3A_387, %sign3A_390 : i32
      %ne3A_392 = arith.cmpi ne, %sign3A_384, %sign3A_391 : i32
      %rem3A_393 = arith.remsi %add3A_349, %jit3A_376 : i32
      %ne3A_394 = arith.constant 0 : i32
      %ne3A_395 = arith.cmpi ne, %rem3A_393, %ne3A_394 : i32
      %and3A_396 = arith.andi %ne3A_392, %ne3A_395 : i1
      %sub3A_397 = arith.constant 1 : i32
      %sub3A_398 = arith.subi %div3A_377, %sub3A_397 : i32
      %select_n3A_399 = arith.select %and3A_396, %sub3A_398, %div3A_377 : i32
      %rem3A_400 = arith.constant 2 : i32
      %rem3A_401 = arith.remsi %select_n3A_399, %rem3A_400 : i32
      %mul3A_402 = arith.constant 8 : i32
      %mul3A_403 = arith.muli %rem3A_401, %mul3A_402 : i32
      %add3A_404 = arith.addi %rem3A_375, %mul3A_403 : i32
      %dma_wait3A_405 = arith.constant 0 : i32
      %dma_wait3A_406 = tpu.memref_slice %arg8[%add3A_404, %dma_wait3A_405] : memref<16x256xi32, #tpu.memory_space<vmem>> -> memref<1x256xi32, #tpu.memory_space<vmem>>
      %dma_wait3A_407 = tpu.memref_squeeze %dma_wait3A_406 : memref<1x256xi32, #tpu.memory_space<vmem>> -> memref<256xi32, #tpu.memory_space<vmem>>
      %dma_wait3A_408 = arith.constant 0 : i32
      %dma_wait3A_409 = arith.constant 0 : i32
      %dma_wait3A_410 = tpu.memref_slice %arg2[%dma_wait3A_408, %dma_wait3A_409] : memref<20000x64xbf16, #tpu.memory_space<hbm>> -> memref<20000x64xbf16, #tpu.memory_space<hbm>>
      tpu.wait_indirect_dma semaphore(%arg19 : memref<!tpu.dma_semaphore, #tpu.memory_space<semaphore_mem>>) src(%dma_wait3A_410 : memref<20000x64xbf16, #tpu.memory_space<hbm>>) dst(%arg12 : memref<256x64xbf16, #tpu.memory_space<vmem>>)
      %rem3A_411 = arith.constant 8 : i32
      %rem3A_412 = arith.remsi %add3A_349, %rem3A_411 : i32
      %jit3A_413 = arith.constant 8 : i32
      %div3A_414 = arith.divsi %add3A_349, %jit3A_413 : i32
      %sign3A_415 = arith.constant 0 : i32
      %sign3A_416 = arith.cmpi sgt, %add3A_349, %sign3A_415 : i32
      %sign3A_417 = arith.extui %sign3A_416 : i1 to i32
      %sign3A_418 = arith.constant 0 : i32
      %sign3A_419 = arith.cmpi slt, %add3A_349, %sign3A_418 : i32
      %sign3A_420 = arith.extui %sign3A_419 : i1 to i32
      %sign3A_421 = arith.subi %sign3A_417, %sign3A_420 : i32
      %sign3A_422 = arith.constant 0 : i32
      %sign3A_423 = arith.cmpi sgt, %jit3A_413, %sign3A_422 : i32
      %sign3A_424 = arith.extui %sign3A_423 : i1 to i32
      %sign3A_425 = arith.constant 0 : i32
      %sign3A_426 = arith.cmpi slt, %jit3A_413, %sign3A_425 : i32
      %sign3A_427 = arith.extui %sign3A_426 : i1 to i32
      %sign3A_428 = arith.subi %sign3A_424, %sign3A_427 : i32
      %ne3A_429 = arith.cmpi ne, %sign3A_421, %sign3A_428 : i32
      %rem3A_430 = arith.remsi %add3A_349, %jit3A_413 : i32
      %ne3A_431 = arith.constant 0 : i32
      %ne3A_432 = arith.cmpi ne, %rem3A_430, %ne3A_431 : i32
      %and3A_433 = arith.andi %ne3A_429, %ne3A_432 : i1
      %sub3A_434 = arith.constant 1 : i32
      %sub3A_435 = arith.subi %div3A_414, %sub3A_434 : i32
      %select_n3A_436 = arith.select %and3A_433, %sub3A_435, %div3A_414 : i32
      %rem3A_437 = arith.constant 2 : i32
      %rem3A_438 = arith.remsi %select_n3A_436, %rem3A_437 : i32
      %mul3A_439 = arith.constant 8 : i32
      %mul3A_440 = arith.muli %rem3A_438, %mul3A_439 : i32
      %add3A_441 = arith.addi %rem3A_412, %mul3A_440 : i32
      %dma_start3A_442 = arith.constant 0 : i32
      %dma_start3A_443 = tpu.memref_slice %arg9[%add3A_441, %dma_start3A_442] : memref<16x256xi32, #tpu.memory_space<vmem>> -> memref<1x256xi32, #tpu.memory_space<vmem>>
      %dma_start3A_444 = tpu.memref_squeeze %dma_start3A_443 : memref<1x256xi32, #tpu.memory_space<vmem>> -> memref<256xi32, #tpu.memory_space<vmem>>
      %dma_start3A_445 = arith.constant 0 : i32
      %dma_start3A_446 = arith.constant 0 : i32
      %dma_start3A_447 = tpu.memref_slice %arg14[%dma_start3A_445, %dma_start3A_446] : memref<20096x64xbf16, #tpu.memory_space<vmem_shared>> -> memref<20096x64xbf16, #tpu.memory_space<vmem_shared>>
      tpu.enqueue_indirect_dma source(%arg12 : memref<256x64xbf16, #tpu.memory_space<vmem>>) target(%dma_start3A_447 : memref<20096x64xbf16, #tpu.memory_space<vmem_shared>>) offsets(%dma_start3A_444 : memref<256xi32, #tpu.memory_space<vmem>>) semaphore(%arg23 : memref<!tpu.dma_semaphore, #tpu.memory_space<semaphore_mem>>) {add = true}
      %ge3A_448 = arith.constant 1 : i32
      %ge3A_449 = arith.cmpi sge, %add3A_349, %ge3A_448 : i32
      %convert_element_type3A_450 = arith.extui %ge3A_449 : i1 to i32
      %cond3A_451 = arith.constant 0 : i32
      %cond3A_452 = arith.cmpi ne, %convert_element_type3A_450, %cond3A_451 : i32
      scf.if %cond3A_452 {
        %rem3A_572 = arith.constant 8 : i32
        %rem3A_573 = arith.remsi %add3A_349, %rem3A_572 : i32
        %jit3A_574 = arith.constant 8 : i32
        %div3A_575 = arith.divsi %add3A_349, %jit3A_574 : i32
        %sign3A_576 = arith.constant 0 : i32
        %sign3A_577 = arith.cmpi sgt, %add3A_349, %sign3A_576 : i32
        %sign3A_578 = arith.extui %sign3A_577 : i1 to i32
        %sign3A_579 = arith.constant 0 : i32
        %sign3A_580 = arith.cmpi slt, %add3A_349, %sign3A_579 : i32
        %sign3A_581 = arith.extui %sign3A_580 : i1 to i32
        %sign3A_582 = arith.subi %sign3A_578, %sign3A_581 : i32
        %sign3A_583 = arith.constant 0 : i32
        %sign3A_584 = arith.cmpi sgt, %jit3A_574, %sign3A_583 : i32
        %sign3A_585 = arith.extui %sign3A_584 : i1 to i32
        %sign3A_586 = arith.constant 0 : i32
        %sign3A_587 = arith.cmpi slt, %jit3A_574, %sign3A_586 : i32
        %sign3A_588 = arith.extui %sign3A_587 : i1 to i32
        %sign3A_589 = arith.subi %sign3A_585, %sign3A_588 : i32
        %ne3A_590 = arith.cmpi ne, %sign3A_582, %sign3A_589 : i32
        %rem3A_591 = arith.remsi %add3A_349, %jit3A_574 : i32
        %ne3A_592 = arith.constant 0 : i32
        %ne3A_593 = arith.cmpi ne, %rem3A_591, %ne3A_592 : i32
        %and3A_594 = arith.andi %ne3A_590, %ne3A_593 : i1
        %sub3A_595 = arith.constant 1 : i32
        %sub3A_596 = arith.subi %div3A_575, %sub3A_595 : i32
        %select_n3A_597 = arith.select %and3A_594, %sub3A_596, %div3A_575 : i32
        %rem3A_598 = arith.constant 2 : i32
        %rem3A_599 = arith.remsi %select_n3A_597, %rem3A_598 : i32
        %mul3A_600 = arith.constant 8 : i32
        %mul3A_601 = arith.muli %rem3A_599, %mul3A_600 : i32
        %add3A_602 = arith.addi %rem3A_573, %mul3A_601 : i32
        %dma_wait3A_603 = arith.constant 0 : i32
        %dma_wait3A_604 = tpu.memref_slice %arg9[%add3A_602, %dma_wait3A_603] : memref<16x256xi32, #tpu.memory_space<vmem>> -> memref<1x256xi32, #tpu.memory_space<vmem>>
        %dma_wait3A_605 = tpu.memref_squeeze %dma_wait3A_604 : memref<1x256xi32, #tpu.memory_space<vmem>> -> memref<256xi32, #tpu.memory_space<vmem>>
        %dma_wait3A_606 = arith.constant 0 : i32
        %dma_wait3A_607 = arith.constant 0 : i32
        %dma_wait3A_608 = tpu.memref_slice %arg14[%dma_wait3A_606, %dma_wait3A_607] : memref<20096x64xbf16, #tpu.memory_space<vmem_shared>> -> memref<20096x64xbf16, #tpu.memory_space<vmem_shared>>
        tpu.wait_indirect_dma semaphore(%arg22 : memref<!tpu.dma_semaphore, #tpu.memory_space<semaphore_mem>>) src(%arg11 : memref<256x64xbf16, #tpu.memory_space<vmem>>) dst(%dma_wait3A_608 : memref<20096x64xbf16, #tpu.memory_space<vmem_shared>>)
      } else {
      }
      %add3A_453 = arith.constant 3 : i32
      %add3A_454 = arith.addi %add3A_349, %add3A_453 : i32
      %lt3A_455 = arith.constant 80 : i32
      %lt3A_456 = arith.cmpi slt, %add3A_454, %lt3A_455 : i32
      %convert_element_type3A_457 = arith.extui %lt3A_456 : i1 to i32
      %cond3A_458 = arith.constant 0 : i32
      %cond3A_459 = arith.cmpi ne, %convert_element_type3A_457, %cond3A_458 : i32
      scf.if %cond3A_459 {
        %add3A_572 = arith.constant 3 : i32
        %add3A_573 = arith.addi %add3A_349, %add3A_572 : i32
        %rem3A_574 = arith.constant 8 : i32
        %rem3A_575 = arith.remsi %add3A_573, %rem3A_574 : i32
        %jit3A_576 = arith.constant 8 : i32
        %div3A_577 = arith.divsi %add3A_573, %jit3A_576 : i32
        %sign3A_578 = arith.constant 0 : i32
        %sign3A_579 = arith.cmpi sgt, %add3A_573, %sign3A_578 : i32
        %sign3A_580 = arith.extui %sign3A_579 : i1 to i32
        %sign3A_581 = arith.constant 0 : i32
        %sign3A_582 = arith.cmpi slt, %add3A_573, %sign3A_581 : i32
        %sign3A_583 = arith.extui %sign3A_582 : i1 to i32
        %sign3A_584 = arith.subi %sign3A_580, %sign3A_583 : i32
        %sign3A_585 = arith.constant 0 : i32
        %sign3A_586 = arith.cmpi sgt, %jit3A_576, %sign3A_585 : i32
        %sign3A_587 = arith.extui %sign3A_586 : i1 to i32
        %sign3A_588 = arith.constant 0 : i32
        %sign3A_589 = arith.cmpi slt, %jit3A_576, %sign3A_588 : i32
        %sign3A_590 = arith.extui %sign3A_589 : i1 to i32
        %sign3A_591 = arith.subi %sign3A_587, %sign3A_590 : i32
        %ne3A_592 = arith.cmpi ne, %sign3A_584, %sign3A_591 : i32
        %rem3A_593 = arith.remsi %add3A_573, %jit3A_576 : i32
        %ne3A_594 = arith.constant 0 : i32
        %ne3A_595 = arith.cmpi ne, %rem3A_593, %ne3A_594 : i32
        %and3A_596 = arith.andi %ne3A_592, %ne3A_595 : i1
        %sub3A_597 = arith.constant 1 : i32
        %sub3A_598 = arith.subi %div3A_577, %sub3A_597 : i32
        %select_n3A_599 = arith.select %and3A_596, %sub3A_598, %div3A_577 : i32
        %rem3A_600 = arith.constant 2 : i32
        %rem3A_601 = arith.remsi %select_n3A_599, %rem3A_600 : i32
        %mul3A_602 = arith.constant 8 : i32
        %mul3A_603 = arith.muli %rem3A_601, %mul3A_602 : i32
        %add3A_604 = arith.addi %rem3A_575, %mul3A_603 : i32
        %dma_start3A_605 = arith.constant 0 : i32
        %dma_start3A_606 = tpu.memref_slice %arg8[%add3A_604, %dma_start3A_605] : memref<16x256xi32, #tpu.memory_space<vmem>> -> memref<1x256xi32, #tpu.memory_space<vmem>>
        %dma_start3A_607 = tpu.memref_squeeze %dma_start3A_606 : memref<1x256xi32, #tpu.memory_space<vmem>> -> memref<256xi32, #tpu.memory_space<vmem>>
        %dma_start3A_608 = arith.constant 0 : i32
        %dma_start3A_609 = arith.constant 0 : i32
        %dma_start3A_610 = tpu.memref_slice %arg2[%dma_start3A_608, %dma_start3A_609] : memref<20000x64xbf16, #tpu.memory_space<hbm>> -> memref<20000x64xbf16, #tpu.memory_space<hbm>>
        tpu.enqueue_indirect_dma source(%dma_start3A_610 : memref<20000x64xbf16, #tpu.memory_space<hbm>>) target(%arg11 : memref<256x64xbf16, #tpu.memory_space<vmem>>) offsets(%dma_start3A_607 : memref<256xi32, #tpu.memory_space<vmem>>) semaphore(%arg18 : memref<!tpu.dma_semaphore, #tpu.memory_space<semaphore_mem>>)
      } else {
      }
      %add3A_460 = arith.constant 3 : i32
      %add3A_461 = arith.addi %add3A_132, %add3A_460 : i32
      %rem3A_462 = arith.constant 8 : i32
      %rem3A_463 = arith.remsi %add3A_461, %rem3A_462 : i32
      %eq3A_464 = arith.constant 1 : i32
      %eq3A_465 = arith.cmpi eq, %rem3A_463, %eq3A_464 : i32
      %sub3A_466 = arith.constant 1 : i32
      %sub3A_467 = arith.subi %add3A_461, %sub3A_466 : i32
      %add3A_468 = arith.constant 8 : i32
      %add3A_469 = arith.addi %sub3A_467, %add3A_468 : i32
      %lt3A_470 = arith.constant 80 : i32
      %lt3A_471 = arith.cmpi slt, %add3A_469, %lt3A_470 : i32
      %and3A_472 = arith.andi %eq3A_465, %lt3A_471 : i1
      %convert_element_type3A_473 = arith.extui %and3A_472 : i1 to i32
      %cond3A_474 = arith.constant 0 : i32
      %cond3A_475 = arith.cmpi ne, %convert_element_type3A_473, %cond3A_474 : i32
      scf.if %cond3A_475 {
        %jit3A_572 = arith.constant 8 : i32
        %div3A_573 = arith.divsi %add3A_461, %jit3A_572 : i32
        %sign3A_574 = arith.constant 0 : i32
        %sign3A_575 = arith.cmpi sgt, %add3A_461, %sign3A_574 : i32
        %sign3A_576 = arith.extui %sign3A_575 : i1 to i32
        %sign3A_577 = arith.constant 0 : i32
        %sign3A_578 = arith.cmpi slt, %add3A_461, %sign3A_577 : i32
        %sign3A_579 = arith.extui %sign3A_578 : i1 to i32
        %sign3A_580 = arith.subi %sign3A_576, %sign3A_579 : i32
        %sign3A_581 = arith.constant 0 : i32
        %sign3A_582 = arith.cmpi sgt, %jit3A_572, %sign3A_581 : i32
        %sign3A_583 = arith.extui %sign3A_582 : i1 to i32
        %sign3A_584 = arith.constant 0 : i32
        %sign3A_585 = arith.cmpi slt, %jit3A_572, %sign3A_584 : i32
        %sign3A_586 = arith.extui %sign3A_585 : i1 to i32
        %sign3A_587 = arith.subi %sign3A_583, %sign3A_586 : i32
        %ne3A_588 = arith.cmpi ne, %sign3A_580, %sign3A_587 : i32
        %rem3A_589 = arith.remsi %add3A_461, %jit3A_572 : i32
        %ne3A_590 = arith.constant 0 : i32
        %ne3A_591 = arith.cmpi ne, %rem3A_589, %ne3A_590 : i32
        %and3A_592 = arith.andi %ne3A_588, %ne3A_591 : i1
        %sub3A_593 = arith.constant 1 : i32
        %sub3A_594 = arith.subi %div3A_573, %sub3A_593 : i32
        %select_n3A_595 = arith.select %and3A_592, %sub3A_594, %div3A_573 : i32
        %add3A_596 = arith.constant 1 : i32
        %add3A_597 = arith.addi %select_n3A_595, %add3A_596 : i32
        %rem3A_598 = arith.constant 2 : i32
        %rem3A_599 = arith.remsi %add3A_597, %rem3A_598 : i32
        %mul3A_600 = arith.constant 8 : i32
        %mul3A_601 = arith.muli %rem3A_599, %mul3A_600 : i32
        %mul3A_602 = arith.constant 8 : i32
        %mul3A_603 = arith.muli %add3A_597, %mul3A_602 : i32
        %add3A_604 = arith.addi %add3A, %mul3A_603 : i32
        %mul3A_605 = arith.constant 8 : i32
        %mul3A_606 = arith.muli %add3A_597, %mul3A_605 : i32
        %add3A_607 = arith.addi %mul3A_9, %mul3A_606 : i32
        %dma_start3A_608 = arith.constant 0 : i32
        %dma_start3A_609 = tpu.memref_slice %arg8[%mul3A_601, %dma_start3A_608] : memref<16x256xi32, #tpu.memory_space<vmem>> -> memref<8x256xi32, #tpu.memory_space<vmem>>
        %dma_start3A_610 = arith.constant 0 : i32
        %dma_start3A_611 = tpu.memref_slice %arg3[%add3A_604, %dma_start3A_610] : memref<2560x256xi32, #tpu.memory_space<hbm>> -> memref<8x256xi32, #tpu.memory_space<hbm>>
        %dma_start3A_612 = arith.constant 0 : i32
        %dma_start3A_613 = tpu.memref_slice %arg8[%mul3A_601, %dma_start3A_612] : memref<16x256xi32, #tpu.memory_space<vmem>> -> memref<8x256xi32, #tpu.memory_space<vmem>>
        %dma_start3A_614 = arith.constant 0 : i32
        %dma_start3A_615 = tpu.memref_slice %arg3[%add3A_604, %dma_start3A_614] : memref<2560x256xi32, #tpu.memory_space<hbm>> -> memref<8x256xi32, #tpu.memory_space<hbm>>
        tpu.enqueue_dma source(%dma_start3A_615 : memref<8x256xi32, #tpu.memory_space<hbm>>) target(%dma_start3A_613 : memref<8x256xi32, #tpu.memory_space<vmem>>) target_semaphore(%arg15 : memref<!tpu.dma_semaphore, #tpu.memory_space<semaphore_mem>>)
        %dma_start3A_616 = arith.constant 0 : i32
        %dma_start3A_617 = tpu.memref_slice %arg9[%mul3A_601, %dma_start3A_616] : memref<16x256xi32, #tpu.memory_space<vmem>> -> memref<8x256xi32, #tpu.memory_space<vmem>>
        %dma_start3A_618 = arith.constant 0 : i32
        %dma_start3A_619 = tpu.memref_slice %arg4[%add3A_607, %dma_start3A_618] : memref<1280x256xi32, #tpu.memory_space<hbm>> -> memref<8x256xi32, #tpu.memory_space<hbm>>
        %dma_start3A_620 = arith.constant 0 : i32
        %dma_start3A_621 = tpu.memref_slice %arg9[%mul3A_601, %dma_start3A_620] : memref<16x256xi32, #tpu.memory_space<vmem>> -> memref<8x256xi32, #tpu.memory_space<vmem>>
        %dma_start3A_622 = arith.constant 0 : i32
        %dma_start3A_623 = tpu.memref_slice %arg4[%add3A_607, %dma_start3A_622] : memref<1280x256xi32, #tpu.memory_space<hbm>> -> memref<8x256xi32, #tpu.memory_space<hbm>>
        tpu.enqueue_dma source(%dma_start3A_623 : memref<8x256xi32, #tpu.memory_space<hbm>>) target(%dma_start3A_621 : memref<8x256xi32, #tpu.memory_space<vmem>>) target_semaphore(%arg15 : memref<!tpu.dma_semaphore, #tpu.memory_space<semaphore_mem>>)
      } else {
      }
      %eq3A_476 = arith.constant 4 : i32
      %eq3A_477 = arith.cmpi eq, %rem3A_463, %eq3A_476 : i32
      %add3A_478 = arith.constant 4 : i32
      %add3A_479 = arith.addi %add3A_461, %add3A_478 : i32
      %lt3A_480 = arith.constant 80 : i32
      %lt3A_481 = arith.cmpi slt, %add3A_479, %lt3A_480 : i32
      %and3A_482 = arith.andi %eq3A_477, %lt3A_481 : i1
      %convert_element_type3A_483 = arith.extui %and3A_482 : i1 to i32
      %cond3A_484 = arith.constant 0 : i32
      %cond3A_485 = arith.cmpi ne, %convert_element_type3A_483, %cond3A_484 : i32
      scf.if %cond3A_485 {
        %jit3A_572 = arith.constant 8 : i32
        %div3A_573 = arith.divsi %add3A_461, %jit3A_572 : i32
        %sign3A_574 = arith.constant 0 : i32
        %sign3A_575 = arith.cmpi sgt, %add3A_461, %sign3A_574 : i32
        %sign3A_576 = arith.extui %sign3A_575 : i1 to i32
        %sign3A_577 = arith.constant 0 : i32
        %sign3A_578 = arith.cmpi slt, %add3A_461, %sign3A_577 : i32
        %sign3A_579 = arith.extui %sign3A_578 : i1 to i32
        %sign3A_580 = arith.subi %sign3A_576, %sign3A_579 : i32
        %sign3A_581 = arith.constant 0 : i32
        %sign3A_582 = arith.cmpi sgt, %jit3A_572, %sign3A_581 : i32
        %sign3A_583 = arith.extui %sign3A_582 : i1 to i32
        %sign3A_584 = arith.constant 0 : i32
        %sign3A_585 = arith.cmpi slt, %jit3A_572, %sign3A_584 : i32
        %sign3A_586 = arith.extui %sign3A_585 : i1 to i32
        %sign3A_587 = arith.subi %sign3A_583, %sign3A_586 : i32
        %ne3A_588 = arith.cmpi ne, %sign3A_580, %sign3A_587 : i32
        %rem3A_589 = arith.remsi %add3A_461, %jit3A_572 : i32
        %ne3A_590 = arith.constant 0 : i32
        %ne3A_591 = arith.cmpi ne, %rem3A_589, %ne3A_590 : i32
        %and3A_592 = arith.andi %ne3A_588, %ne3A_591 : i1
        %sub3A_593 = arith.constant 1 : i32
        %sub3A_594 = arith.subi %div3A_573, %sub3A_593 : i32
        %select_n3A_595 = arith.select %and3A_592, %sub3A_594, %div3A_573 : i32
        %add3A_596 = arith.constant 1 : i32
        %add3A_597 = arith.addi %select_n3A_595, %add3A_596 : i32
        %rem3A_598 = arith.constant 2 : i32
        %rem3A_599 = arith.remsi %add3A_597, %rem3A_598 : i32
        %mul3A_600 = arith.constant 8 : i32
        %mul3A_601 = arith.muli %rem3A_599, %mul3A_600 : i32
        %mul3A_602 = arith.constant 8 : i32
        %mul3A_603 = arith.muli %add3A_597, %mul3A_602 : i32
        %add3A_604 = arith.addi %add3A, %mul3A_603 : i32
        %mul3A_605 = arith.constant 8 : i32
        %mul3A_606 = arith.muli %add3A_597, %mul3A_605 : i32
        %add3A_607 = arith.addi %mul3A_9, %mul3A_606 : i32
        %dma_wait3A_608 = arith.constant 0 : i32
        %dma_wait3A_609 = tpu.memref_slice %arg8[%mul3A_601, %dma_wait3A_608] : memref<16x256xi32, #tpu.memory_space<vmem>> -> memref<8x256xi32, #tpu.memory_space<vmem>>
        %dma_wait3A_610 = arith.constant 0 : i32
        %dma_wait3A_611 = tpu.memref_slice %arg3[%add3A_604, %dma_wait3A_610] : memref<2560x256xi32, #tpu.memory_space<hbm>> -> memref<8x256xi32, #tpu.memory_space<hbm>>
        %dma_wait3A_612 = arith.constant 0 : i32
        %dma_wait3A_613 = tpu.memref_slice %arg8[%mul3A_601, %dma_wait3A_612] : memref<16x256xi32, #tpu.memory_space<vmem>> -> memref<8x256xi32, #tpu.memory_space<vmem>>
        %dma_wait3A_614 = arith.constant 0 : i32
        %dma_wait3A_615 = tpu.memref_slice %arg3[%add3A_604, %dma_wait3A_614] : memref<2560x256xi32, #tpu.memory_space<hbm>> -> memref<8x256xi32, #tpu.memory_space<hbm>>
        tpu.wait_dma2 semaphore(%arg15 : memref<!tpu.dma_semaphore, #tpu.memory_space<semaphore_mem>>) src(%dma_wait3A_615 : memref<8x256xi32, #tpu.memory_space<hbm>>) dst(%dma_wait3A_613 : memref<8x256xi32, #tpu.memory_space<vmem>>)
        %dma_wait3A_616 = arith.constant 0 : i32
        %dma_wait3A_617 = tpu.memref_slice %arg9[%mul3A_601, %dma_wait3A_616] : memref<16x256xi32, #tpu.memory_space<vmem>> -> memref<8x256xi32, #tpu.memory_space<vmem>>
        %dma_wait3A_618 = arith.constant 0 : i32
        %dma_wait3A_619 = tpu.memref_slice %arg4[%add3A_607, %dma_wait3A_618] : memref<1280x256xi32, #tpu.memory_space<hbm>> -> memref<8x256xi32, #tpu.memory_space<hbm>>
        %dma_wait3A_620 = arith.constant 0 : i32
        %dma_wait3A_621 = tpu.memref_slice %arg9[%mul3A_601, %dma_wait3A_620] : memref<16x256xi32, #tpu.memory_space<vmem>> -> memref<8x256xi32, #tpu.memory_space<vmem>>
        %dma_wait3A_622 = arith.constant 0 : i32
        %dma_wait3A_623 = tpu.memref_slice %arg4[%add3A_607, %dma_wait3A_622] : memref<1280x256xi32, #tpu.memory_space<hbm>> -> memref<8x256xi32, #tpu.memory_space<hbm>>
        tpu.wait_dma2 semaphore(%arg15 : memref<!tpu.dma_semaphore, #tpu.memory_space<semaphore_mem>>) src(%dma_wait3A_623 : memref<8x256xi32, #tpu.memory_space<hbm>>) dst(%dma_wait3A_621 : memref<8x256xi32, #tpu.memory_space<vmem>>)
      } else {
      }
      %rem3A_486 = arith.constant 8 : i32
      %rem3A_487 = arith.remsi %add3A_461, %rem3A_486 : i32
      %jit3A_488 = arith.constant 8 : i32
      %div3A_489 = arith.divsi %add3A_461, %jit3A_488 : i32
      %sign3A_490 = arith.constant 0 : i32
      %sign3A_491 = arith.cmpi sgt, %add3A_461, %sign3A_490 : i32
      %sign3A_492 = arith.extui %sign3A_491 : i1 to i32
      %sign3A_493 = arith.constant 0 : i32
      %sign3A_494 = arith.cmpi slt, %add3A_461, %sign3A_493 : i32
      %sign3A_495 = arith.extui %sign3A_494 : i1 to i32
      %sign3A_496 = arith.subi %sign3A_492, %sign3A_495 : i32
      %sign3A_497 = arith.constant 0 : i32
      %sign3A_498 = arith.cmpi sgt, %jit3A_488, %sign3A_497 : i32
      %sign3A_499 = arith.extui %sign3A_498 : i1 to i32
      %sign3A_500 = arith.constant 0 : i32
      %sign3A_501 = arith.cmpi slt, %jit3A_488, %sign3A_500 : i32
      %sign3A_502 = arith.extui %sign3A_501 : i1 to i32
      %sign3A_503 = arith.subi %sign3A_499, %sign3A_502 : i32
      %ne3A_504 = arith.cmpi ne, %sign3A_496, %sign3A_503 : i32
      %rem3A_505 = arith.remsi %add3A_461, %jit3A_488 : i32
      %ne3A_506 = arith.constant 0 : i32
      %ne3A_507 = arith.cmpi ne, %rem3A_505, %ne3A_506 : i32
      %and3A_508 = arith.andi %ne3A_504, %ne3A_507 : i1
      %sub3A_509 = arith.constant 1 : i32
      %sub3A_510 = arith.subi %div3A_489, %sub3A_509 : i32
      %select_n3A_511 = arith.select %and3A_508, %sub3A_510, %div3A_489 : i32
      %rem3A_512 = arith.constant 2 : i32
      %rem3A_513 = arith.remsi %select_n3A_511, %rem3A_512 : i32
      %mul3A_514 = arith.constant 8 : i32
      %mul3A_515 = arith.muli %rem3A_513, %mul3A_514 : i32
      %add3A_516 = arith.addi %rem3A_487, %mul3A_515 : i32
      %dma_wait3A_517 = arith.constant 0 : i32
      %dma_wait3A_518 = tpu.memref_slice %arg8[%add3A_516, %dma_wait3A_517] : memref<16x256xi32, #tpu.memory_space<vmem>> -> memref<1x256xi32, #tpu.memory_space<vmem>>
      %dma_wait3A_519 = tpu.memref_squeeze %dma_wait3A_518 : memref<1x256xi32, #tpu.memory_space<vmem>> -> memref<256xi32, #tpu.memory_space<vmem>>
      %dma_wait3A_520 = arith.constant 0 : i32
      %dma_wait3A_521 = arith.constant 0 : i32
      %dma_wait3A_522 = tpu.memref_slice %arg2[%dma_wait3A_520, %dma_wait3A_521] : memref<20000x64xbf16, #tpu.memory_space<hbm>> -> memref<20000x64xbf16, #tpu.memory_space<hbm>>
      tpu.wait_indirect_dma semaphore(%arg20 : memref<!tpu.dma_semaphore, #tpu.memory_space<semaphore_mem>>) src(%dma_wait3A_522 : memref<20000x64xbf16, #tpu.memory_space<hbm>>) dst(%arg13 : memref<256x64xbf16, #tpu.memory_space<vmem>>)
      %rem3A_523 = arith.constant 8 : i32
      %rem3A_524 = arith.remsi %add3A_461, %rem3A_523 : i32
      %jit3A_525 = arith.constant 8 : i32
      %div3A_526 = arith.divsi %add3A_461, %jit3A_525 : i32
      %sign3A_527 = arith.constant 0 : i32
      %sign3A_528 = arith.cmpi sgt, %add3A_461, %sign3A_527 : i32
      %sign3A_529 = arith.extui %sign3A_528 : i1 to i32
      %sign3A_530 = arith.constant 0 : i32
      %sign3A_531 = arith.cmpi slt, %add3A_461, %sign3A_530 : i32
      %sign3A_532 = arith.extui %sign3A_531 : i1 to i32
      %sign3A_533 = arith.subi %sign3A_529, %sign3A_532 : i32
      %sign3A_534 = arith.constant 0 : i32
      %sign3A_535 = arith.cmpi sgt, %jit3A_525, %sign3A_534 : i32
      %sign3A_536 = arith.extui %sign3A_535 : i1 to i32
      %sign3A_537 = arith.constant 0 : i32
      %sign3A_538 = arith.cmpi slt, %jit3A_525, %sign3A_537 : i32
      %sign3A_539 = arith.extui %sign3A_538 : i1 to i32
      %sign3A_540 = arith.subi %sign3A_536, %sign3A_539 : i32
      %ne3A_541 = arith.cmpi ne, %sign3A_533, %sign3A_540 : i32
      %rem3A_542 = arith.remsi %add3A_461, %jit3A_525 : i32
      %ne3A_543 = arith.constant 0 : i32
      %ne3A_544 = arith.cmpi ne, %rem3A_542, %ne3A_543 : i32
      %and3A_545 = arith.andi %ne3A_541, %ne3A_544 : i1
      %sub3A_546 = arith.constant 1 : i32
      %sub3A_547 = arith.subi %div3A_526, %sub3A_546 : i32
      %select_n3A_548 = arith.select %and3A_545, %sub3A_547, %div3A_526 : i32
      %rem3A_549 = arith.constant 2 : i32
      %rem3A_550 = arith.remsi %select_n3A_548, %rem3A_549 : i32
      %mul3A_551 = arith.constant 8 : i32
      %mul3A_552 = arith.muli %rem3A_550, %mul3A_551 : i32
      %add3A_553 = arith.addi %rem3A_524, %mul3A_552 : i32
      %dma_start3A_554 = arith.constant 0 : i32
      %dma_start3A_555 = tpu.memref_slice %arg9[%add3A_553, %dma_start3A_554] : memref<16x256xi32, #tpu.memory_space<vmem>> -> memref<1x256xi32, #tpu.memory_space<vmem>>
      %dma_start3A_556 = tpu.memref_squeeze %dma_start3A_555 : memref<1x256xi32, #tpu.memory_space<vmem>> -> memref<256xi32, #tpu.memory_space<vmem>>
      %dma_start3A_557 = arith.constant 0 : i32
      %dma_start3A_558 = arith.constant 0 : i32
      %dma_start3A_559 = tpu.memref_slice %arg14[%dma_start3A_557, %dma_start3A_558] : memref<20096x64xbf16, #tpu.memory_space<vmem_shared>> -> memref<20096x64xbf16, #tpu.memory_space<vmem_shared>>
      tpu.enqueue_indirect_dma source(%arg13 : memref<256x64xbf16, #tpu.memory_space<vmem>>) target(%dma_start3A_559 : memref<20096x64xbf16, #tpu.memory_space<vmem_shared>>) offsets(%dma_start3A_556 : memref<256xi32, #tpu.memory_space<vmem>>) semaphore(%arg24 : memref<!tpu.dma_semaphore, #tpu.memory_space<semaphore_mem>>) {add = true}
      %ge3A_560 = arith.constant 1 : i32
      %ge3A_561 = arith.cmpi sge, %add3A_461, %ge3A_560 : i32
      %convert_element_type3A_562 = arith.extui %ge3A_561 : i1 to i32
      %cond3A_563 = arith.constant 0 : i32
      %cond3A_564 = arith.cmpi ne, %convert_element_type3A_562, %cond3A_563 : i32
      scf.if %cond3A_564 {
        %rem3A_572 = arith.constant 8 : i32
        %rem3A_573 = arith.remsi %add3A_461, %rem3A_572 : i32
        %jit3A_574 = arith.constant 8 : i32
        %div3A_575 = arith.divsi %add3A_461, %jit3A_574 : i32
        %sign3A_576 = arith.constant 0 : i32
        %sign3A_577 = arith.cmpi sgt, %add3A_461, %sign3A_576 : i32
        %sign3A_578 = arith.extui %sign3A_577 : i1 to i32
        %sign3A_579 = arith.constant 0 : i32
        %sign3A_580 = arith.cmpi slt, %add3A_461, %sign3A_579 : i32
        %sign3A_581 = arith.extui %sign3A_580 : i1 to i32
        %sign3A_582 = arith.subi %sign3A_578, %sign3A_581 : i32
        %sign3A_583 = arith.constant 0 : i32
        %sign3A_584 = arith.cmpi sgt, %jit3A_574, %sign3A_583 : i32
        %sign3A_585 = arith.extui %sign3A_584 : i1 to i32
        %sign3A_586 = arith.constant 0 : i32
        %sign3A_587 = arith.cmpi slt, %jit3A_574, %sign3A_586 : i32
        %sign3A_588 = arith.extui %sign3A_587 : i1 to i32
        %sign3A_589 = arith.subi %sign3A_585, %sign3A_588 : i32
        %ne3A_590 = arith.cmpi ne, %sign3A_582, %sign3A_589 : i32
        %rem3A_591 = arith.remsi %add3A_461, %jit3A_574 : i32
        %ne3A_592 = arith.constant 0 : i32
        %ne3A_593 = arith.cmpi ne, %rem3A_591, %ne3A_592 : i32
        %and3A_594 = arith.andi %ne3A_590, %ne3A_593 : i1
        %sub3A_595 = arith.constant 1 : i32
        %sub3A_596 = arith.subi %div3A_575, %sub3A_595 : i32
        %select_n3A_597 = arith.select %and3A_594, %sub3A_596, %div3A_575 : i32
        %rem3A_598 = arith.constant 2 : i32
        %rem3A_599 = arith.remsi %select_n3A_597, %rem3A_598 : i32
        %mul3A_600 = arith.constant 8 : i32
        %mul3A_601 = arith.muli %rem3A_599, %mul3A_600 : i32
        %add3A_602 = arith.addi %rem3A_573, %mul3A_601 : i32
        %dma_wait3A_603 = arith.constant 0 : i32
        %dma_wait3A_604 = tpu.memref_slice %arg9[%add3A_602, %dma_wait3A_603] : memref<16x256xi32, #tpu.memory_space<vmem>> -> memref<1x256xi32, #tpu.memory_space<vmem>>
        %dma_wait3A_605 = tpu.memref_squeeze %dma_wait3A_604 : memref<1x256xi32, #tpu.memory_space<vmem>> -> memref<256xi32, #tpu.memory_space<vmem>>
        %dma_wait3A_606 = arith.constant 0 : i32
        %dma_wait3A_607 = arith.constant 0 : i32
        %dma_wait3A_608 = tpu.memref_slice %arg14[%dma_wait3A_606, %dma_wait3A_607] : memref<20096x64xbf16, #tpu.memory_space<vmem_shared>> -> memref<20096x64xbf16, #tpu.memory_space<vmem_shared>>
        tpu.wait_indirect_dma semaphore(%arg23 : memref<!tpu.dma_semaphore, #tpu.memory_space<semaphore_mem>>) src(%arg12 : memref<256x64xbf16, #tpu.memory_space<vmem>>) dst(%dma_wait3A_608 : memref<20096x64xbf16, #tpu.memory_space<vmem_shared>>)
      } else {
      }
      %add3A_565 = arith.constant 3 : i32
      %add3A_566 = arith.addi %add3A_461, %add3A_565 : i32
      %lt3A_567 = arith.constant 80 : i32
      %lt3A_568 = arith.cmpi slt, %add3A_566, %lt3A_567 : i32
      %convert_element_type3A_569 = arith.extui %lt3A_568 : i1 to i32
      %cond3A_570 = arith.constant 0 : i32
      %cond3A_571 = arith.cmpi ne, %convert_element_type3A_569, %cond3A_570 : i32
      scf.if %cond3A_571 {
        %add3A_572 = arith.constant 3 : i32
        %add3A_573 = arith.addi %add3A_461, %add3A_572 : i32
        %rem3A_574 = arith.constant 8 : i32
        %rem3A_575 = arith.remsi %add3A_573, %rem3A_574 : i32
        %jit3A_576 = arith.constant 8 : i32
        %div3A_577 = arith.divsi %add3A_573, %jit3A_576 : i32
        %sign3A_578 = arith.constant 0 : i32
        %sign3A_579 = arith.cmpi sgt, %add3A_573, %sign3A_578 : i32
        %sign3A_580 = arith.extui %sign3A_579 : i1 to i32
        %sign3A_581 = arith.constant 0 : i32
        %sign3A_582 = arith.cmpi slt, %add3A_573, %sign3A_581 : i32
        %sign3A_583 = arith.extui %sign3A_582 : i1 to i32
        %sign3A_584 = arith.subi %sign3A_580, %sign3A_583 : i32
        %sign3A_585 = arith.constant 0 : i32
        %sign3A_586 = arith.cmpi sgt, %jit3A_576, %sign3A_585 : i32
        %sign3A_587 = arith.extui %sign3A_586 : i1 to i32
        %sign3A_588 = arith.constant 0 : i32
        %sign3A_589 = arith.cmpi slt, %jit3A_576, %sign3A_588 : i32
        %sign3A_590 = arith.extui %sign3A_589 : i1 to i32
        %sign3A_591 = arith.subi %sign3A_587, %sign3A_590 : i32
        %ne3A_592 = arith.cmpi ne, %sign3A_584, %sign3A_591 : i32
        %rem3A_593 = arith.remsi %add3A_573, %jit3A_576 : i32
        %ne3A_594 = arith.constant 0 : i32
        %ne3A_595 = arith.cmpi ne, %rem3A_593, %ne3A_594 : i32
        %and3A_596 = arith.andi %ne3A_592, %ne3A_595 : i1
        %sub3A_597 = arith.constant 1 : i32
        %sub3A_598 = arith.subi %div3A_577, %sub3A_597 : i32
        %select_n3A_599 = arith.select %and3A_596, %sub3A_598, %div3A_577 : i32
        %rem3A_600 = arith.constant 2 : i32
        %rem3A_601 = arith.remsi %select_n3A_599, %rem3A_600 : i32
        %mul3A_602 = arith.constant 8 : i32
        %mul3A_603 = arith.muli %rem3A_601, %mul3A_602 : i32
        %add3A_604 = arith.addi %rem3A_575, %mul3A_603 : i32
        %dma_start3A_605 = arith.constant 0 : i32
        %dma_start3A_606 = tpu.memref_slice %arg8[%add3A_604, %dma_start3A_605] : memref<16x256xi32, #tpu.memory_space<vmem>> -> memref<1x256xi32, #tpu.memory_space<vmem>>
        %dma_start3A_607 = tpu.memref_squeeze %dma_start3A_606 : memref<1x256xi32, #tpu.memory_space<vmem>> -> memref<256xi32, #tpu.memory_space<vmem>>
        %dma_start3A_608 = arith.constant 0 : i32
        %dma_start3A_609 = arith.constant 0 : i32
        %dma_start3A_610 = tpu.memref_slice %arg2[%dma_start3A_608, %dma_start3A_609] : memref<20000x64xbf16, #tpu.memory_space<hbm>> -> memref<20000x64xbf16, #tpu.memory_space<hbm>>
        tpu.enqueue_indirect_dma source(%dma_start3A_610 : memref<20000x64xbf16, #tpu.memory_space<hbm>>) target(%arg12 : memref<256x64xbf16, #tpu.memory_space<vmem>>) offsets(%dma_start3A_607 : memref<256xi32, #tpu.memory_space<vmem>>) semaphore(%arg19 : memref<!tpu.dma_semaphore, #tpu.memory_space<semaphore_mem>>)
      } else {
      }
    }
    %scan3A_104 = arith.constant 20 : i32
    %rem3A_105 = arith.constant 79 : i32
    %rem3A_106 = arith.constant 8 : i32
    %rem3A_107 = arith.remsi %rem3A_105, %rem3A_106 : i32
    %rem3A_108 = arith.constant 9 : i32
    %rem3A_109 = arith.constant 2 : i32
    %rem3A_110 = arith.remsi %rem3A_108, %rem3A_109 : i32
    %mul3A_111 = arith.constant 8 : i32
    %mul3A_112 = arith.muli %rem3A_110, %mul3A_111 : i32
    %add3A_113 = arith.addi %rem3A_107, %mul3A_112 : i32
    %dma_wait3A_114 = arith.constant 0 : i32
    %dma_wait3A_115 = tpu.memref_slice %arg9[%add3A_113, %dma_wait3A_114] : memref<16x256xi32, #tpu.memory_space<vmem>> -> memref<1x256xi32, #tpu.memory_space<vmem>>
    %dma_wait3A_116 = tpu.memref_squeeze %dma_wait3A_115 : memref<1x256xi32, #tpu.memory_space<vmem>> -> memref<256xi32, #tpu.memory_space<vmem>>
    %dma_wait3A_117 = arith.constant 0 : i32
    %dma_wait3A_118 = arith.constant 0 : i32
    %dma_wait3A_119 = tpu.memref_slice %arg14[%dma_wait3A_117, %dma_wait3A_118] : memref<20096x64xbf16, #tpu.memory_space<vmem_shared>> -> memref<20096x64xbf16, #tpu.memory_space<vmem_shared>>
    tpu.wait_indirect_dma semaphore(%arg24 : memref<!tpu.dma_semaphore, #tpu.memory_space<semaphore_mem>>) src(%arg13 : memref<256x64xbf16, #tpu.memory_space<vmem>>) dst(%dma_wait3A_119 : memref<20096x64xbf16, #tpu.memory_space<vmem_shared>>)
    %barrier3A_120 = arith.constant 0 : index
    tpu.barrier barrier_id(%barrier3A_120)
    %eq3A = arith.constant 0 : i32
    %eq3A_121 = arith.cmpi eq, %arg0, %eq3A : i32
    %convert_element_type3A = arith.extui %eq3A_121 : i1 to i32
    %cond3A = arith.constant 0 : i32
    %cond3A_122 = arith.cmpi ne, %convert_element_type3A, %cond3A : i32
    scf.if %cond3A_122 {
      "tpu.region"() ({
        %run_scoped3A = tpu.sem_alloc : memref<!tpu.dma_semaphore, #tpu.memory_space<semaphore_mem>>
        %dma_start3A_128 = arith.constant 0 : i32
        %dma_start3A_129 = tpu.memref_slice %arg6[%mul3A_0, %dma_start3A_128] : memref<20096x64xbf16, #tpu.memory_space<hbm>> -> memref<1256x64xbf16, #tpu.memory_space<hbm>>
        %dma_start3A_130 = arith.constant 0 : i32
        %dma_start3A_131 = tpu.memref_slice %arg14[%mul3A_0, %dma_start3A_130] : memref<20096x64xbf16, #tpu.memory_space<vmem_shared>> -> memref<1256x64xbf16, #tpu.memory_space<vmem_shared>>
        tpu.enqueue_dma source(%dma_start3A_131 : memref<1256x64xbf16, #tpu.memory_space<vmem_shared>>) target(%dma_start3A_129 : memref<1256x64xbf16, #tpu.memory_space<hbm>>) target_semaphore(%run_scoped3A : memref<!tpu.dma_semaphore, #tpu.memory_space<semaphore_mem>>)
        %dma_wait3A_132 = arith.constant 0 : i32
        %dma_wait3A_133 = tpu.memref_slice %arg6[%mul3A_0, %dma_wait3A_132] : memref<20096x64xbf16, #tpu.memory_space<hbm>> -> memref<1256x64xbf16, #tpu.memory_space<hbm>>
        %dma_wait3A_134 = arith.constant 0 : i32
        %dma_wait3A_135 = tpu.memref_slice %arg14[%mul3A_0, %dma_wait3A_134] : memref<20096x64xbf16, #tpu.memory_space<vmem_shared>> -> memref<1256x64xbf16, #tpu.memory_space<vmem_shared>>
        tpu.wait_dma2 semaphore(%run_scoped3A : memref<!tpu.dma_semaphore, #tpu.memory_space<semaphore_mem>>) src(%dma_wait3A_135 : memref<1256x64xbf16, #tpu.memory_space<vmem_shared>>) dst(%dma_wait3A_133 : memref<1256x64xbf16, #tpu.memory_space<hbm>>)
        tpu.yield
      }) : () -> ()
    } else {
    }
    %eq3A_123 = arith.constant 1 : i32
    %eq3A_124 = arith.cmpi eq, %arg0, %eq3A_123 : i32
    %convert_element_type3A_125 = arith.extui %eq3A_124 : i1 to i32
    %cond3A_126 = arith.constant 0 : i32
    %cond3A_127 = arith.cmpi ne, %convert_element_type3A_125, %cond3A_126 : i32
    scf.if %cond3A_127 {
      "tpu.region"() ({
        %run_scoped3A = tpu.sem_alloc : memref<!tpu.dma_semaphore, #tpu.memory_space<semaphore_mem>>
        %dma_start3A_128 = arith.constant 0 : i32
        %dma_start3A_129 = tpu.memref_slice %arg7[%mul3A_0, %dma_start3A_128] : memref<20096x64xbf16, #tpu.memory_space<hbm>> -> memref<1256x64xbf16, #tpu.memory_space<hbm>>
        %dma_start3A_130 = arith.constant 0 : i32
        %dma_start3A_131 = tpu.memref_slice %arg14[%mul3A_0, %dma_start3A_130] : memref<20096x64xbf16, #tpu.memory_space<vmem_shared>> -> memref<1256x64xbf16, #tpu.memory_space<vmem_shared>>
        tpu.enqueue_dma source(%dma_start3A_131 : memref<1256x64xbf16, #tpu.memory_space<vmem_shared>>) target(%dma_start3A_129 : memref<1256x64xbf16, #tpu.memory_space<hbm>>) target_semaphore(%run_scoped3A : memref<!tpu.dma_semaphore, #tpu.memory_space<semaphore_mem>>)
        %dma_wait3A_132 = arith.constant 0 : i32
        %dma_wait3A_133 = tpu.memref_slice %arg7[%mul3A_0, %dma_wait3A_132] : memref<20096x64xbf16, #tpu.memory_space<hbm>> -> memref<1256x64xbf16, #tpu.memory_space<hbm>>
        %dma_wait3A_134 = arith.constant 0 : i32
        %dma_wait3A_135 = tpu.memref_slice %arg14[%mul3A_0, %dma_wait3A_134] : memref<20096x64xbf16, #tpu.memory_space<vmem_shared>> -> memref<1256x64xbf16, #tpu.memory_space<vmem_shared>>
        tpu.wait_dma2 semaphore(%run_scoped3A : memref<!tpu.dma_semaphore, #tpu.memory_space<semaphore_mem>>) src(%dma_wait3A_135 : memref<1256x64xbf16, #tpu.memory_space<vmem_shared>>) dst(%dma_wait3A_133 : memref<1256x64xbf16, #tpu.memory_space<hbm>>)
        tpu.yield
      }) : () -> ()
    } else {
    }
    return
  }
}

module attributes {stable_mosaic.version = 14 : i64} {
  func.func @_xw_body(%arg0: i32, %arg1: memref<1000x128xf32, #tpu.memory_space<vmem>>, %arg2: memref<128x128xf32, #tpu.memory_space<vmem>>, %arg3: memref<2x1000x64xbf16, #tpu.memory_space<vmem>>) attributes {dimension_semantics = [#tpu.dimension_semantics<arbitrary>], iteration_bounds = array<i64: 10>, scalar_prefetch = 0 : i64, scratch_operands = 0 : i64, tpu.core_type = #tpu.core_type<tc>, window_params = [{transform_indices = @transform_0, window_bounds = array<i64: 1000, 128>}, {pipeline_mode = #tpu.pipeline_mode<synchronous>, transform_indices = @transform_1, window_bounds = array<i64: 128, 128>}, {transform_indices = @transform_2, window_bounds = array<i64: 2, 1000, 64>}]} {
    %get3A = arith.constant 0 : index
    %get3A_0 = arith.constant 0 : index
    %get3A_1 = vector.load %arg1[%get3A, %get3A_0] : memref<1000x128xf32, #tpu.memory_space<vmem>>, vector<1000x128xf32>
    %get3A_2 = arith.constant 0 : index
    %get3A_3 = arith.constant 0 : index
    %get3A_4 = vector.load %arg2[%get3A_2, %get3A_3] : memref<128x128xf32, #tpu.memory_space<vmem>>, vector<128x128xf32>
    %dot_general3A = arith.constant dense<0.000000e+00> : vector<1000x128xf32>
    %dot_general3A_5 = tpu.matmul %get3A_1, %get3A_4, %dot_general3A {dimension_numbers = #tpu.dot_dimension_numbers<[1], [0], [0], [1], [0, 0, 1, 1], [], []>, transpose_lhs_hint = false} : vector<1000x128xf32>, vector<128x128xf32>, vector<1000x128xf32> -> vector<1000x128xf32>
    %convert_element_type3A = arith.truncf %dot_general3A_5 : vector<1000x128xf32> to vector<1000x128xbf16>
    %slice3A = vector.extract_strided_slice %convert_element_type3A {offsets = [0, 0], sizes = [1000, 64], strides = [1, 1]} : vector<1000x128xbf16> to vector<1000x64xbf16>
    %swap3A = arith.constant 0 : index
    %swap3A_6 = arith.constant 0 : index
    %swap3A_7 = arith.constant 0 : index
    %swap3A_8 = vector.load %arg3[%swap3A, %swap3A_6, %swap3A_7] : memref<2x1000x64xbf16, #tpu.memory_space<vmem>>, vector<1x1000x64xbf16>
    %swap3A_9 = vector.shape_cast %swap3A_8 : vector<1x1000x64xbf16> to vector<1000x64xbf16>
    %swap3A_10 = vector.shape_cast %slice3A : vector<1000x64xbf16> to vector<1x1000x64xbf16>
    tpu.vector_store %arg3[%swap3A, %swap3A_6, %swap3A_7], %swap3A_10 {strides = array<i32>} : memref<2x1000x64xbf16, #tpu.memory_space<vmem>>, vector<1x1000x64xbf16>,
    %slice3A_11 = vector.extract_strided_slice %convert_element_type3A {offsets = [0, 64], sizes = [1000, 64], strides = [1, 1]} : vector<1000x128xbf16> to vector<1000x64xbf16>
    %swap3A_12 = arith.constant 1 : index
    %swap3A_13 = arith.constant 0 : index
    %swap3A_14 = arith.constant 0 : index
    %swap3A_15 = vector.load %arg3[%swap3A_12, %swap3A_13, %swap3A_14] : memref<2x1000x64xbf16, #tpu.memory_space<vmem>>, vector<1x1000x64xbf16>
    %swap3A_16 = vector.shape_cast %swap3A_15 : vector<1x1000x64xbf16> to vector<1000x64xbf16>
    %swap3A_17 = vector.shape_cast %slice3A_11 : vector<1000x64xbf16> to vector<1x1000x64xbf16>
    tpu.vector_store %arg3[%swap3A_12, %swap3A_13, %swap3A_14], %swap3A_17 {strides = array<i32>} : memref<2x1000x64xbf16, #tpu.memory_space<vmem>>, vector<1x1000x64xbf16>,
    return
  }
  func.func @transform_0(%arg0: i32) -> (i32, i32) {
    %c0_i32 = arith.constant 0 : i32
    %c0_i32_0 = arith.constant 0 : i32
    return %arg0, %c0_i32 : i32, i32
  }
  func.func @transform_1(%arg0: i32) -> (i32, i32) {
    %c0_i32 = arith.constant 0 : i32
    %c0_i32_0 = arith.constant 0 : i32
    %c0_i32_1 = arith.constant 0 : i32
    return %c0_i32, %c0_i32_0 : i32, i32
  }
  func.func @transform_2(%arg0: i32) -> (i32, i32, i32) {
    %c0_i32 = arith.constant 0 : i32
    %c0_i32_0 = arith.constant 0 : i32
    %c0_i32_1 = arith.constant 0 : i32
    return %c0_i32, %arg0, %c0_i32_0 : i32, i32, i32
  }
}

module attributes {stable_mosaic.version = 14 : i64} {
  func.func @_elu_body(%arg0: i32, %arg1: memref<1000x64xbf16, #tpu.memory_space<vmem>>, %arg2: memref<1000x64xbf16, #tpu.memory_space<vmem>>, %arg3: memref<1000x128xf32, #tpu.memory_space<vmem>>) attributes {dimension_semantics = [#tpu.dimension_semantics<arbitrary>], iteration_bounds = array<i64: 20>, scalar_prefetch = 0 : i64, scratch_operands = 0 : i64, tpu.core_type = #tpu.core_type<tc>, window_params = [{transform_indices = @transform_0, window_bounds = array<i64: 1000, 64>}, {transform_indices = @transform_1, window_bounds = array<i64: 1000, 64>}, {transform_indices = @transform_2, window_bounds = array<i64: 1000, 128>}]} {
    %get3A = arith.constant 0 : index
    %get3A_0 = arith.constant 0 : index
    %get3A_1 = vector.load %arg1[%get3A, %get3A_0] : memref<1000x64xbf16, #tpu.memory_space<vmem>>, vector<1000x64xbf16>
    %convert_element_type3A = arith.extf %get3A_1 : vector<1000x64xbf16> to vector<1000x64xf32>
    %get3A_2 = arith.constant 0 : index
    %get3A_3 = arith.constant 0 : index
    %get3A_4 = vector.load %arg2[%get3A_2, %get3A_3] : memref<1000x64xbf16, #tpu.memory_space<vmem>>, vector<1000x64xbf16>
    %convert_element_type3A_5 = arith.extf %get3A_4 : vector<1000x64xbf16> to vector<1000x64xf32>
    %gt3A = arith.constant 0.000000e+00 : f32
    %gt3A_6 = vector.broadcast %gt3A : f32 to vector<1000x64xf32>
    %gt3A_7 = arith.cmpf ogt, %convert_element_type3A, %gt3A_6 : vector<1000x64xf32>
    %exp3A = math.exp %convert_element_type3A : vector<1000x64xf32>
    %sub3A = arith.constant 1.000000e+00 : f32
    %sub3A_8 = vector.broadcast %sub3A : f32 to vector<1000x64xf32>
    %sub3A_9 = arith.subf %exp3A, %sub3A_8 : vector<1000x64xf32>
    %select_n3A = arith.select %gt3A_7, %convert_element_type3A, %sub3A_9 : vector<1000x64xi1>, vector<1000x64xf32>
    %gt3A_10 = arith.constant 0.000000e+00 : f32
    %gt3A_11 = vector.broadcast %gt3A_10 : f32 to vector<1000x64xf32>
    %gt3A_12 = arith.cmpf ogt, %convert_element_type3A_5, %gt3A_11 : vector<1000x64xf32>
    %exp3A_13 = math.exp %convert_element_type3A_5 : vector<1000x64xf32>
    %sub3A_14 = arith.constant 1.000000e+00 : f32
    %sub3A_15 = vector.broadcast %sub3A_14 : f32 to vector<1000x64xf32>
    %sub3A_16 = arith.subf %exp3A_13, %sub3A_15 : vector<1000x64xf32>
    %select_n3A_17 = arith.select %gt3A_12, %convert_element_type3A_5, %sub3A_16 : vector<1000x64xi1>, vector<1000x64xf32>
    %concatenate3A = tpu.concatenate %select_n3A, %select_n3A_17 in 1 : vector<1000x64xf32>, vector<1000x64xf32> -> vector<1000x128xf32>
    %swap3A = arith.constant 0 : index
    %swap3A_18 = arith.constant 0 : index
    %swap3A_19 = vector.load %arg3[%swap3A, %swap3A_18] : memref<1000x128xf32, #tpu.memory_space<vmem>>, vector<1000x128xf32>
    tpu.vector_store %arg3[%swap3A, %swap3A_18], %concatenate3A {strides = array<i32>} : memref<1000x128xf32, #tpu.memory_space<vmem>>, vector<1000x128xf32>,
    return
  }
  func.func @transform_0(%arg0: i32) -> (i32, i32) {
    %c0_i32 = arith.constant 0 : i32
    %c0_i32_0 = arith.constant 0 : i32
    return %arg0, %c0_i32 : i32, i32
  }
  func.func @transform_1(%arg0: i32) -> (i32, i32) {
    %c0_i32 = arith.constant 0 : i32
    %c0_i32_0 = arith.constant 0 : i32
    return %arg0, %c0_i32 : i32, i32
  }
  func.func @transform_2(%arg0: i32) -> (i32, i32) {
    %c0_i32 = arith.constant 0 : i32
    %c0_i32_0 = arith.constant 0 : i32
    return %arg0, %c0_i32 : i32, i32
  }
}

</mosaic_0001>

<sc_bundles>
// kernel: kernel.5.cloned.1.call-start
scs
__scs_entry_jumppad:
0x0: {  	(pc) =	sbr.rel $0x88, $3  }
0x1: {  	(tag) =	ssettag $0x0;
	lr =	simm.s32 $0x1  }
0x2: {  	[smem:$0x3F9D] =	sst lr;
	_ =	strace $0xD0000000  }
0x3: {  	_ = 	snop  }
0x4: {  	_ = 	snop  }
0x5: {  	_ = 	snop  }
0x6: {  	_ = 	snop  }
0x7: {  	_ = 	snop  }
__scs_overlays_trampoline_lowered:
0x8: {  	[smem:$0x3FAC] =	sst s0  }
0x9: {  	[smem:$0x3FAD] =	sst s1  }
0xa: {  	[smem:$0x3FAE] =	sst s2  }
0xb: {  	[smem:$0x3FAF] =	sst s3  }
0xc: {  	[smem:$0x3FB0] =	sst s4  }
0xd: {  	[smem:$0x3FB1] =	sst s5  }
0xe: {  	[smem:$0x3FB2] =	sst s6  }
0xf: {  	[smem:$0x3FB3] =	sst s7  }
0x10: {  	[smem:$0x3FB4] =	sst s8  }
0x11: {  	[smem:$0x3FB5] =	sst s9;
	s0 =	simm.s32 @!p0 $0x0  }
0x12: {  	s1 =	sld [smem:$0x3F9B];
	s0 =	simm.s32 @p0 $0x1  }
0x13: {  	[smem:$0x3FB6] =	sst s0;
	s0 =	simm.s32 @!p1 $0x0  }
0x14: {  	s2 =	sld [smem:$0x3F9A];
	s0 =	simm.s32 @p1 $0x1  }
0x15: {  	[smem:$0x3FB7] =	sst s0;
	s0 =	simm.s32 @!p2 $0x0  }
0x16: {  	s3 =	sld [smem:$0x3FDB];
	s0 =	simm.s32 @p2 $0x1  }
0x17: {  	s4 =	simm.s32 $0x1BF5;
	[smem:$0x3FB9] =	sst s0  }
0x18: {  	s0 =	sld [smem:$0x3F9C];
	_ =	swait.ge [sflag:s4], $0x0  }
0x19: {  	s7 =	sld [smem:$0x3F9D]  }
0x1a: {  	s8 =	sadd.s32 $0xFFFFE003, lr  }
0x1b: {  	s9 =	sadd.s32 $0xFFFFFEF7, lr;
	s5 =	simm.s32 $0xFFFFFFFF;
	p2 =	slt.u32 s8, $0xFFFFF086  }
0x1c: {  	p1 =	slt.u32 s9, $0xF7A;
	s5 =	simm.s32 @!p2 $0x0  }
0x1d: {  	s5 =	simm.s32 @p1 $0x1;
	p0 =	seq.s32 s7, s2  }
0x1e: {  	s7 =	smul.u32 @!p0 $0xF7A, s2;
	p2 =	seq.s32 @!p0 s5, $0x0  }
0x1f: {  	s9 =	smul.u32 $0xF7A, s1;
	s8 =	simm.s32 @!p0 $0x1BF5;
	p2 =	por !p2, p0  }
0x20: {  	[sflag:s8] =	ssyncset.s32 @!p0 $0xFFFFF086;
	s6 =	sadd.s32 @!p0 s3, s7;
	s7 =	simm.s32 @!p0 $0x108  }
0x21: {  	s3 =	sadd.s32 s3, s9;
	s6 =	sadd.s32 @!p0 $0x88, s6;
	s7 =	simm.s32 @p2 $0x1082  }
0x22: {  	[simem:s7], [sflag:s8] =	dma.local @!p0 [hbm:s6], $0xF7A  }
0x23: {  	s9 =	sor.u32 $0xD0000000, s2;
	s6 =	simm.s32 $0x108;
	_ =	swait.ge @!p0 [sflag:s8], $0x0  }
0x24: {  	s3 =	sadd.s32 $0x88, s3;
	s6 =	simm.s32 @!p1 $0x1082;
	[sflag:s4] =	ssyncset.s32 $0xFFFFF086  }
0x25: {  	[simem:s6], [sflag:s4] =	dma.local [hbm:s3], $0xF7A  }
0x26: {  	[smem:$0x3F9D] =	sst s1;
	(tag) =	ssettag s2;
	_ =	strace s9  }
0x27: {  	s1 =	sld [smem:$0x3FAD]  }
0x28: {  	s2 =	sld [smem:$0x3FAE]  }
0x29: {  	s4 =	sld [smem:$0x3FB0]  }
0x2a: {  	p0 =	seq.s32 s5, $0x0;
	s5 =	sld [smem:$0x3FB1]  }
0x2b: {  	s6 =	sld [smem:$0x3FB2]  }
0x2c: {  	s7 =	sld [smem:$0x3FB3]  }
0x2d: {  	s3 =	simm.s32 $0x108;
	s8 =	sld [smem:$0x3FB4]  }
0x2e: {  	s3 =	simm.s32 @!p0 $0x1082;
	s9 =	sld [smem:$0x3FB5]  }
0x2f: {  	lr =	sadd.s32 s0, s3;
	s0 =	sld [smem:$0x3FAC]  }
0x30: {  	s3 =	sld [smem:$0x3FAF]  }
0x31: {  	[smem:$0x3FB8] =	sst s10  }
0x32: {  	s10 =	sld [smem:$0x3FB6];
	_ =	sdelay $0x3  }
0x33: {  	p0 =	seq.s32 s10, $0x1;
	s10 =	sld [smem:$0x3FB8];
	_ =	sdelay $0x3  }
0x34: {  	[smem:$0x3FB8] =	sst s10  }
0x35: {  	s10 =	sld [smem:$0x3FB7];
	_ =	sdelay $0x3  }
0x36: {  	p1 =	seq.s32 s10, $0x1;
	s10 =	sld [smem:$0x3FB8];
	_ =	sdelay $0x3  }
0x37: {  	[smem:$0x3FB8] =	sst s10  }
0x38: {  	s10 =	sld [smem:$0x3FB9]  }
0x39: {  	_ = 	snop;
	(pc) =	sbr.ind lr, $3  }
0x3a: {  	_ = 	snop  }
0x3b: {  	_ = 	snop  }
0x3c: {  	p2 =	seq.s32 s10, $0x1;
	s10 =	sld [smem:$0x3FB8]  }
0x3d: {  	_ =	shalt  }
0x3e: {  	_ =	shalt  }
0x3f: {  	_ =	shalt  }
0x40: {  	_ =	shalt  }
0x41: {  	_ =	shalt  }
0x42: {  	_ =	shalt  }
0x43: {  	_ =	shalt  }
0x44: {  	_ =	shalt  }
0x45: {  	_ =	shalt  }
0x46: {  	_ =	shalt  }
0x47: {  	_ =	shalt  }
0x48: {  	_ =	shalt  }
0x49: {  	_ =	shalt  }
0x4a: {  	_ =	shalt  }
0x4b: {  	_ =	shalt  }
0x4c: {  	_ =	shalt  }
0x4d: {  	_ =	shalt  }
0x4e: {  	_ =	shalt  }
0x4f: {  	_ =	shalt  }
0x50: {  	_ =	shalt  }
0x51: {  	_ =	shalt  }
0x52: {  	_ =	shalt  }
0x53: {  	_ =	shalt  }
0x54: {  	_ =	shalt  }
0x55: {  	_ =	shalt  }
0x56: {  	_ =	shalt  }
0x57: {  	_ =	shalt  }
0x58: {  	_ =	shalt  }
0x59: {  	_ =	shalt  }
0x5a: {  	_ =	shalt  }
0x5b: {  	_ =	shalt  }
0x5c: {  	_ =	shalt  }
0x5d: {  	_ =	shalt  }
0x5e: {  	_ =	shalt  }
0x5f: {  	_ =	shalt  }
0x60: {  	_ =	shalt  }
0x61: {  	_ =	shalt  }
0x62: {  	_ =	shalt  }
0x63: {  	_ =	shalt  }
0x64: {  	_ =	shalt  }
0x65: {  	_ =	shalt  }
0x66: {  	_ =	shalt  }
0x67: {  	_ =	shalt  }
0x68: {  	_ =	shalt  }
0x69: {  	_ =	shalt  }
0x6a: {  	_ =	shalt  }
0x6b: {  	_ =	shalt  }
0x6c: {  	_ =	shalt  }
0x6d: {  	_ =	shalt  }
0x6e: {  	_ =	shalt  }
0x6f: {  	_ =	shalt  }
0x70: {  	_ =	shalt  }
0x71: {  	_ =	shalt  }
0x72: {  	_ =	shalt  }
0x73: {  	_ =	shalt  }
0x74: {  	_ =	shalt  }
0x75: {  	_ =	shalt  }
0x76: {  	_ =	shalt  }
0x77: {  	_ =	shalt  }
0x78: {  	_ =	shalt  }
0x79: {  	_ =	shalt  }
0x7a: {  	_ =	shalt  }
0x7b: {  	_ =	shalt  }
0x7c: {  	_ =	shalt  }
0x7d: {  	_ =	shalt  }
0x7e: {  	_ =	shalt  }
0x7f: {  	_ =	shalt  }
0x80: {  	_ =	shalt  }
0x81: {  	_ =	shalt  }
0x82: {  	_ =	shalt  }
0x83: {  	_ =	shalt  }
0x84: {  	_ =	shalt  }
0x85: {  	_ =	shalt  }
0x86: {  	_ =	shalt  }
0x87: {  	_ =	shalt  }
.Lfunc_end0:
.L_simem_size_0:
called_computation_lowered:
.L_overlay_start_0:
0x88: {  	s2 =	sld [smem:$0x3FD9]  }
0x89: {  	s3 =	sld [smem:$0x3FFE];
	_ =	sdelay $0x1  }
0x8a: {  	s1 =	srdreg.scid  }
0x8b: {  	s0 =	sand.u32 $0x1, s1  }
0x8c: {  	s17 =	sshll.u32 s0, $0xA;
	s2 =	sadd.s32 s3, s2  }
0x8d: {  	s2 =	sadd.s32 s2, s17  }
0x8e: {  	[smem:$0x3FC4] =	sst s2  }
0x8f: {  	_ = 	snop  }
0x90: {  	s2 =	sld [smem:$0x3FD0];
	(tm) =	ssettm $0x1  }
0x91: {  	s18 =	sld [smem:$0x3FFB];
	_ =	sdelay $0x3  }
0x92: {  	_ =	strace s18  }
0x93: {  	s3 =	sld [smem:$0x3FFC];
	_ =	sdelay $0x3  }
0x94: {  	_ =	strace s3  }
0x95: {  	s3 =	sld [smem:$0x3FFD];
	_ =	sdelay $0x3  }
0x96: {  	_ =	strace s3  }
0x97: {  	_ =	strace $0x8FFFFFFF  }
0x98: {  	s19 =	sld [smem:$0x3FDB];
	_ =	sdelay $0x1  }
0x99: {  	s4 =	simm.s32 $_scs_section_size  }
0x9a: {  	s5 =	simm.s32 $_size__tile_overlayer_lowered;
	s6 =	simm.s32 $_tile_overlayer_lowered  }
0x9b: {  	s22 =	simm.s32 $0x1BFF;
	s21 =	sshll.u32 s6, $0x1;
	s3 =	sadd.s32 s4, s19  }
0x9c: {  	s7 =	simm.s32 $0x0;
	s20 =	sshll.u32 s5, $0x1;
	s5 =	sadd.s32 s21, s3  }
0x9d: {  	[timem:s7], [sflag:s22] =	dma.local [hbm:s5], s20  }
0x9e: {  	_ =	swait.ge [sflag:s22], s20  }
0x9f: {  	s4 =	ssub.s32 $0x0, s20;
	[sflag:s22] =	ssyncset.done $0x0  }
0xa0: {  	[sflag:s22] =	ssyncadd.s32 s4;
	_ =	sdelay $0x1  }
0xa1: {  	s23 =	simm.s32 $0x1B8B  }
0xa2: {  	_ =	swait.ge [sflag:s23], $0x1  }
0xa3: {  	[sflag:s23] =	ssyncset.done $0x0  }
0xa4: {  	s25 =	simm.s32 $0x1B8E;
	s24 =	sld [smem:$0x3FFE];
	[sflag:s23] =	ssyncadd.s32 $0xFFFFFFFF  }
0xa5: {  	s26 =	simm.s32 $execute0_lowered;
	[smem:$0x3FD2] =	sst s25  }
0xa6: {  	s5 =	sshll.u32 s26, $0x1;
	_ =	strace $0x80000046;
	[dreg:$0x1] =	wrdreg $0xFFFFFFFF  }
0xa7: {  	s28 =	simm.s32 $_size_execute0_lowered;
	s3 =	sadd.s32 s3, s5;
	[dreg:$0x0] =	wrdreg $0x0  }
0xa8: {  	s5 =	sshll.u32 s28, $0x1;
	[dreg:$0x2] =	wrdreg s3  }
0xa9: {  	[dreg:$0x3] =	wrdreg s5  }
0xaa: {  	[dreg:$0x4] =	wrdreg $0xC0  }
0xab: {  	_ =	task [dreg:s7], $0x5FFFF  }
0xac: {  	[dreg:$0x1] =	wrdreg $0xFFFFFFFF  }
0xad: {  	[dreg:$0x0] =	wrdreg $0x60  }
0xae: {  	[dreg:$0x2] =	wrdreg s24  }
0xaf: {  	[dreg:$0x3] =	wrdreg s2  }
0xb0: {  	[dreg:$0x4] =	wrdreg $0xA0000  }
0xb1: {  	[dreg:$0x5] =	wrdreg $0x9  }
0xb2: {  	_ =	task.clear_ibuf [dreg:s7], $0x6FFFF;
	_ =	strace $0x90000046  }
0xb3: {  	s29 =	simm.s32 $0x9;
	_ =	strace $0x80000048  }
0xb4: {  	_ =	swait.ge [sflag:s29], $0x1  }
0xb5: {  	[sflag:s29] =	ssyncadd.s32 $0xFFFFFFFF  }
0xb6: {  	_ =	strace $0x90000048  }
0xb7: {  	_ =	sfence  }
0xb8: {  	s30 =	sld [smem:$0x0];
	_ =	sdelay $0x2  }
0xb9: {  	s31 =	sshll.u32 s1, $0xD;
	s1 =	sshrl.u32 s1, $0x2  }
0xba: {  	s3 =	sand.u32 $0x4000, s31;
	s1 =	sadd.s32 s1, s30  }
0xbb: {  	s0 =	sor.u32 s3, s0;
	s1 =	sshll.u32 s1, $0x11  }
0xbc: {  	s0 =	sor.u32 s1, s0  }
0xbd: {  	s0 =	sadd.s32 $0x8F2B, s0  }
0xbe: {  	[sflag:s0] =	ssyncadd.remote.s32 $0x1  }
0xbf: {  	_ =	sfence.sel $0xFFFF  }
0xc0: {  	[dreg:$0x0] =	wrdreg $0xFFFFFFFF;
	(pc) =	sbr.abs _section_cstart, $3  }
0xc1: {  	[dreg:$0x1] =	wrdreg $0xFFFFFFFF  }
0xc2: {  	_ =	task.clear_ibuf [dreg:s7], $0x2FFFF;
	_ =	strace $0x9FFFFFFF  }
0xc3: {  	(tm) =	ssettm $0x7FFFFFFF  }
tec
execute0_lowered:
.L_overlay_start_1:
0x0: {  	(tag) =	ssettag $0x1  }
0x1: {  	s0 =	rddreg [dreg:$0x0]  }
0x2: {  	s1 =	rddreg [dreg:$0x1]  }
0x3: {  	s3 =	rddreg [dreg:$0x2];
	s2 =	simm.s32 $0x0  }
0x4: {  	s4 =	stileid.u32;
	s7 =	srdreg.scid;
	s28 =	simm.s32 $0x4  }
0x5: {  	s29 =	simm.s32 $0x7;
	s30 =	simm.s32 $0x5;
	s31 =	simm.s32 $0x8  }
0x6: {  	[smem:$0x7FF] =	sst s2;
	s17 =	smul.u32 $0x13A00, s4;
	s5 =	sadd.s32 $0x15200, s0  }
0x7: {  	s6 =	sadd.s32 $0x28C00, s0;
	s8 =	sand.u32 $0x1, s7;
	s7 =	smul.u32 $0x50, s4  }
0x8: {  	s20 =	sshll.u32 s4, $0x6;
	s23 =	smul.u32 $0xA00, s4;
	_ =	strace $0x80000047  }
0x9: {  	s10 =	ssub.s32 $0x2, s8;
	s11 =	smul.u32 $0x500, s8;
	[dreg:$0x5] =	wrdreg s20  }
0xa: {  	s21 =	sor.u32 $0x1C02, s20;
	p0 =	seq.s32 s8, $0x1;
	s8 =	simm.s32 $0x46600  }
0xb: {  	s20 =	simm.s32 $0x2000;
	s9 =	sshrl.u32 s17, $0x4;
	s12 =	sshrl.u32 s10, $0x1  }
0xc: {  	s2 =	sshrl.u32 s17, $0x1;
	[dreg:$0x6] =	wrdreg s21;
	s25 =	sadd.s32 s6, s23  }
0xd: {  	s8 =	simm.s32 @!p0 $0x32C00;
	s21 =	simm.s32 $0x4000;
	s23 =	simm.s32 $0x6000  }
0xe: {  	s0 =	sadd.s32 s9, s0;
	s18 =	ssub.s32 s10, s12;
	s2 =	sadd.s32 s2, s3  }
0xf: {  	s10 =	sadd.s32 s7, s11;
	[dreg:$0x8] =	wrdreg s25;
	s25 =	simm.s32 $0x3  }
0x10: {  	s19 =	sadd.s32 $0x1800, s0;
	s22 =	sshll.u32 s10, $0x5;
	s26 =	smax.u32 s18, $0x1  }
.Ltmp0:
0x11: {  	s0 =	sadd.s32 s8, s0;
	[dreg:$0x4] =	wrdreg s19;
	(pc) =	sbr.rel .LBB2_1-.Ltmp0, $4  }
0x12: {  	s11 =	sshrl.u32 s2, $0x3;
	s18 =	simm.s32 $0x1;
	[dreg:$0x9] =	wrdreg s26  }
0x13: {  	s2 =	simm.s32 $0x9;
	s8 =	simm.s32 $0x0;
	[dreg:$0xa] =	wrdreg s0  }
0x14: {  	s24 =	sadd.s32 s1, s22;
	s19 =	simm.s32 $0x100;
	[dreg:$0xb] =	wrdreg s11  }
0x15: {  	s26 =	simm.s32 $0x8000;
	s0 =	simm.s32 $0x6;
	[dreg:$0x7] =	wrdreg s24  }
.LBB2_4:
0x16: {  	_ =	swait.ge [sflag:s0], $0x2000  }
0x17: {  	[sflag:s0] =	ssyncset.done $0x0  }
0x18: {  	[sflag:s0] =	ssyncadd.s32 $0xFFFFE000  }
0x19: {  	[spmem:s3] =	stream.indirect.scatter.add.bf16 [tilespmem:s26], [sflag:$0xA], $0x20, s13, s19, $0xb8;
	[tilespmem:$0x13D00] =	vst v63  }
0x1a: {  	_ =	swait.ge [sflag:s2], $0x2000  }
0x1b: {  	[sflag:s2] =	ssyncset.done $0x0  }
0x1c: {  	s4 =	simm.s32 $0xA;
	[sflag:s2] =	ssyncadd.s32 $0xFFFFE000  }
0x1d: {  	_ =	swait.ge [sflag:s4], $0x2000  }
0x1e: {  	[sflag:s4] =	ssyncset.done $0x0  }
0x1f: {  	[sflag:s4] =	ssyncadd.s32 $0xFFFFE000  }
0x20: {  	[bflag:$0x0] =	sbarrier.arrive $0xFFFF  }
0x21: {  	s17 =	rddreg [dreg:$0x5]  }
0x22: {  	s9 =	rddreg [dreg:$0xa]  }
0x23: {  	s22 =	simm.s32 $0xB;
	s11 =	rddreg [dreg:$0xb];
	s4 =	sor.u32 $0x1C0B, s17  }
0x24: {  	[hbm:s9], [sflag:s4] =	dma.local [spmem:s11], $0x13A0  }
0x25: {  	_ =	swait.ge [sflag:s22], $0x13A0  }
0x26: {  	s8 =	sadd.s32 $0x1, s8;
	s24 =	rddreg [dreg:$0x9]  }
0x27: {  	p0 =	sne.s32 s8, s24  }
.Ltmp1:
0x28: {  	_ = 	snop;
	(pc) =	sbr.rel @!p0 .LBB2_5-.Ltmp1, $3  }
0x29: {  	_ =	sdelay $0x1  }
0x2a: {  	[sflag:s22] =	ssyncset.done $0x0  }
0x2b: {  	[sflag:s22] =	ssyncadd.s32 $0xFFFFEC60  }
.LBB2_1:
0x2c: {  	s4 =	rddreg [dreg:$0x4]  }
0x2d: {  	s9 =	rddreg [dreg:$0x6]  }
0x2e: {  	[spmem:s11], [sflag:s9] =	dma.local [hbm:s4], $0x13A0  }
0x2f: {  	s15 =	simm.s32 $0x0;
	s9 =	rddreg [dreg:$0x7]  }
0x30: {  	[tilespmem:s15], [sflag:$0x1] =	stream.linear.gather [hbm4b:s9+s15], $0x800, $0x38;
	[tilespmem:$0x13D00] =	vst v63  }
0x31: {  	s17 =	simm.s32 $0x1000;
	s16 =	rddreg [dreg:$0x8]  }
0x32: {  	[tilespmem:s17], [sflag:$0x1] =	stream.linear.gather [hbm4b:s16+s15], $0x800, $0x38;
	[tilespmem:$0x13D00] =	vst v63  }
0x33: {  	_ =	swait.ge [sflag:s18], $0x800  }
0x34: {  	[sflag:s18] =	ssyncset.done $0x0  }
0x35: {  	[sflag:s18] =	ssyncadd.s32 $0xFFFFF800  }
0x36: {  	_ =	swait.ge [sflag:s18], $0x800  }
0x37: {  	[sflag:s18] =	ssyncset.done $0x0  }
0x38: {  	[sflag:s18] =	ssyncadd.s32 $0xFFFFF800  }
0x39: {  	[tilespmem:s20], [sflag:$0x3] =	stream.indirect.gather [hbm4b:s5+s19], $0x20, s15, s19, $0xb8;
	[tilespmem:$0x13D00] =	vst v63  }
0x3a: {  	_ = 	snop  }
0x3b: {  	[tilespmem:s21], [sflag:$0x4] =	stream.indirect.gather [hbm4b:s5+s19], $0x20, s19, s19, $0xb8;
	[tilespmem:$0x13D00] =	vst v63  }
0x3c: {  	s22 =	simm.s32 $0x200;
	s24 =	simm.s32 $0x2  }
0x3d: {  	[tilespmem:s23], [sflag:$0x5] =	stream.indirect.gather [hbm4b:s5+s19], $0x20, s22, s19, $0xb8;
	[tilespmem:$0x13D00] =	vst v63  }
0x3e: {  	_ =	swait.ge [sflag:s24], $0x13A0  }
0x3f: {  	[sflag:s24] =	ssyncset.done $0x0  }
0x40: {  	s12 =	simm.s32 $0x0;
	[sflag:s24] =	ssyncadd.s32 $0xFFFFEC60  }
0x41: {  	s11 =	simm.s32 $0x1800;
	s9 =	simm.s32 $0x0;
	[bflag:$0x0] =	sbarrier.arrive $0xFFFF  }
.LBB2_2:
0x42: {  	s13 =	sand.u32 $0x4, s12;
	p0 =	seq.s32 s11, $0x14800  }
0x43: {  	p1 =	seq.s32 @!p0 s13, $0x0  }
0x44: {  	p1 =	por p1, p0  }
0x45: {  	s14 =	simm.s32 @!p1 $0x1  }
0x46: {  	_ =	swait.ge @!p1 [sflag:s14], $0x800  }
0x47: {  	[sflag:s14] =	ssyncset.done @!p1 $0x0  }
0x48: {  	[sflag:s14] =	ssyncadd.s32 @!p1 $0xFFFFF800  }
0x49: {  	_ =	swait.ge @!p1 [sflag:s14], $0x800  }
0x4a: {  	s15 =	sadd.s32 $0xFFFFE800, s11;
	[sflag:s14] =	ssyncset.done @!p1 $0x0  }
0x4b: {  	s16 =	sand.u32 $0x2000, s15;
	s24 =	sshll.u32 s13, $0x8;
	[sflag:s14] =	ssyncadd.s32 @!p1 $0xFFFFF800  }
0x4c: {  	s15 =	sand.u32 $0x1000, s15;
	s14 =	sshrl.u32 s16, $0x2;
	_ =	swait.ge [sflag:s25], $0x2000  }
0x4d: {  	p1 =	seq.s32 s11, $0x1800;
	s4 =	sor.u32 $0x1000, s14;
	[sflag:s25] =	ssyncset.done $0x0  }
0x4e: {  	s17 =	simm.s32 @!p1 $0xA;
	s24 =	sor.u32 s24, s4;
	[sflag:s25] =	ssyncadd.s32 $0xFFFFE000  }
0x4f: {  	[spmem:s3] =	stream.indirect.scatter.add.bf16 [tilespmem:s20], [sflag:$0x7], $0x20, s24, s19, $0xb8;
	[tilespmem:$0x13D00] =	vst v63  }
0x50: {  	s22 =	sor.u32 $0xC00, s15;
	_ =	swait.ge @!p1 [sflag:s17], $0x2000  }
0x51: {  	s22 =	sshrl.u32 s22, $0x2;
	[sflag:s17] =	ssyncset.done @!p1 $0x0  }
0x52: {  	s14 =	sadd.s32 s22, s14;
	[sflag:s17] =	ssyncadd.s32 @!p1 $0xFFFFE000;
	p1 =	sgt.u32 s9, $0x11  }
0x53: {  	[tilespmem:s26], [sflag:$0x6] =	stream.indirect.gather [hbm4b:s5+s19], $0x20, s14, s19, $0xb8;
	[tilespmem:$0x13D00] =	vst v63  }
0x54: {  	p2 =	sne.s32 @!p1 s13, $0x0  }
0x55: {  	p1 =	por p2, p1  }
0x56: {  	s13 =	sshrl.u32 @!p1 s9, $0x1  }
0x57: {  	s13 =	sadd.s32 @!p1 $0x1, s13  }
0x58: {  	s14 =	sshll.u32 @!p1 s13, $0x3  }
0x59: {  	s17 =	sadd.s32 @!p1 s10, s14  }
0x5a: {  	s16 =	simm.s32 @!p1 $0x0;
	s14 =	sadd.s32 @!p1 s7, s14;
	s17 =	sshll.u32 @!p1 s17, $0x5  }
0x5b: {  	s13 =	sshll.u32 @!p1 s13, $0xB;
	s14 =	sshll.u32 @!p1 s14, $0x5;
	s17 =	sand.u32 @!p1 $0x1FFFFF00, s17  }
0x5c: {  	s13 =	sand.u32 @!p1 $0x800, s13;
	s14 =	sand.u32 @!p1 $0x1FFFFF00, s14;
	s17 =	sadd.s32 @!p1 s1, s17  }
0x5d: {  	[tilespmem:s13], [sflag:$0x1] =	stream.linear.gather @!p1 [hbm4b:s17+s16], $0x800, $0x38;
	[tilespmem:$0x13D00] =	vst v63  }
0x5e: {  	s14 =	sadd.s32 @!p1 s6, s14;
	s13 =	sor.u32 @!p1 $0x1000, s13  }
0x5f: {  	[tilespmem:s13], [sflag:$0x1] =	stream.linear.gather @!p1 [hbm4b:s14+s16], $0x800, $0x38;
	[tilespmem:$0x13D00] =	vst v63  }
0x60: {  	_ =	swait.ge [sflag:s28], $0x2000  }
0x61: {  	[sflag:s28] =	ssyncset.done $0x0  }
0x62: {  	s17 =	sadd.s32 $0x100, s24;
	[sflag:s28] =	ssyncadd.s32 $0xFFFFE000  }
0x63: {  	[spmem:s3] =	stream.indirect.scatter.add.bf16 [tilespmem:s21], [sflag:$0x8], $0x20, s17, s19, $0xb8;
	[tilespmem:$0x13D00] =	vst v63  }
0x64: {  	s13 =	sadd.s32 @!p0 $0xFFFFF800, s11;
	_ =	swait.ge [sflag:s29], $0x2000  }
0x65: {  	s14 =	simm.s32 @!p0 $0x100;
	s13 =	sand.u32 @!p0 $0x3000, s13;
	[sflag:s29] =	ssyncset.done $0x0  }
0x66: {  	s16 =	simm.s32 @!p0 $0x2000;
	s13 =	sshrl.u32 @!p0 s13, $0x2;
	[sflag:s29] =	ssyncadd.s32 $0xFFFFE000  }
0x67: {  	[tilespmem:s16], [sflag:$0x3] =	stream.indirect.gather @!p0 [hbm4b:s5+s14], $0x20, s13, s14, $0xb8;
	[tilespmem:$0x13D00] =	vst v63  }
0x68: {  	s24 =	sshrl.u32 s15, $0x2;
	_ =	swait.ge [sflag:s30], $0x2000  }
0x69: {  	s13 =	sadd.s32 s24, s4;
	[sflag:s30] =	ssyncset.done $0x0  }
.Ltmp2:
0x6a: {  	s13 =	sadd.s32 $0x200, s13;
	[sflag:s30] =	ssyncadd.s32 $0xFFFFE000;
	(pc) =	sbr.rel @p0 .LBB2_4-.Ltmp2, $4  }
0x6b: {  	[spmem:s3] =	stream.indirect.scatter.add.bf16 [tilespmem:s23], [sflag:$0x9], $0x20, s13, s19, $0xb8;
	[tilespmem:$0x13D00] =	vst v63  }
0x6c: {  	_ =	swait.ge [sflag:s31], $0x2000  }
0x6d: {  	[sflag:s31] =	ssyncset.done $0x0  }
0x6e: {  	s13 =	sadd.s32 s22, s4;
	[sflag:s31] =	ssyncadd.s32 $0xFFFFE000  }
0x6f: {  	s4 =	sadd.s32 $0xFFFFFC00, s11  }
0x70: {  	s4 =	sand.u32 $0x3400, s4  }
0x71: {  	s4 =	sshrl.u32 s4, $0x2  }
0x72: {  	[tilespmem:s21], [sflag:$0x4] =	stream.indirect.gather [hbm4b:s5+s19], $0x20, s4, s19, $0xb8;
	[tilespmem:$0x13D00] =	vst v63  }
0x73: {  	_ =	swait.ge [sflag:s0], $0x2000  }
0x74: {  	[sflag:s0] =	ssyncset.done $0x0  }
0x75: {  	[sflag:s0] =	ssyncadd.s32 $0xFFFFE000  }
0x76: {  	[spmem:s3] =	stream.indirect.scatter.add.bf16 [tilespmem:s26], [sflag:$0xA], $0x20, s13, s19, $0xb8;
	[tilespmem:$0x13D00] =	vst v63  }
.Ltmp3:
0x77: {  	_ = 	snop;
	(pc) =	sbr.rel .LBB2_2-.Ltmp3, $4  }
0x78: {  	s24 =	sand.u32 $0x3800, s11;
	_ =	swait.ge [sflag:s2], $0x2000  }
0x79: {  	s9 =	sadd.s32 $0x1, s9;
	s12 =	sadd.s32 $0x4, s12;
	[sflag:s2] =	ssyncset.done $0x0  }
0x7a: {  	s11 =	sadd.s32 $0x1000, s11;
	s4 =	sshrl.u32 s24, $0x2;
	[sflag:s2] =	ssyncadd.s32 $0xFFFFE000  }
0x7b: {  	[tilespmem:s23], [sflag:$0x5] =	stream.indirect.gather [hbm4b:s5+s19], $0x20, s4, s19, $0xb8;
	[tilespmem:$0x13D00] =	vst v63  }
.LBB2_5:
0x7c: {  	_ =	sfence.sel $0x180000  }
0x7d: {  	[bflag:$0x0] =	sbarrier.arrive $0xFFFF  }
0x7e: {  	_ =	strace $0x90000047  }
0x7f: {  	s0 =	stileid.u32;
	[bflag:$0x2] =	sbarrier.arrive $0xFFFF  }
0x80: {  	p0 =	sne.s32 s0, $0x0;
	s0 =	rddreg [dreg:$0x3]  }
0x81: {  	s0 =	sadd.s32 @!p0 $0x100000, s0  }
0x82: {  	[sflag:s0] =	ssyncadd.tile.s32 @!p0 $0x1;
	_ =	shalt  }
.Lfunc_end2:
_tile_overlayer_lowered:
.L_overlay_start_2:
0x83: {  	(tag) =	ssettag $0x2  }
0x84: {  	s0 =	rddreg [dreg:$0x0];
	s2 =	stileid.u32  }
0x85: {  	s1 =	rddreg [dreg:$0x1];
	p0 =	sne.s32 s2, $0x0  }
0x86: {  	s3 =	rddreg [dreg:$0x2];
	[bflag:$0x3] =	sbarrier.arrive $0xFFFF;
	s2 =	simm.s32 @!p0 $0x1C0B  }
0x87: {  	[timem:s3], [sflag:s2] =	dma.local @!p0 [hbm:s0], s1  }
0x88: {  	s0 =	simm.s32 @!p0 $0xB  }
0x89: {  	_ =	swait.ge @!p0 [sflag:s0], s1  }
0x8a: {  	s1 =	ssub.s32 @!p0 $0x0, s1;
	[sflag:s0] =	ssyncset.done @!p0 $0x0  }
0x8b: {  	[sflag:s0] =	ssyncadd.s32 @!p0 s1  }
0x8c: {  	[bflag:$0x3] =	sbarrier.arrive $0xFFFF  }
0x8d: {  	_ =	shalt  }

</sc_bundles>
